<compile_context>
chip_gen: v7x
topology: tpu7x:2x2x1
jax: 0.10.2.dev20260603
libtpu: 0.0.44.dev20260713+nightly
codegen_flags: <defaults>
</compile_context>

<pallas_src>
import functools

import jax
import jax.numpy as jnp
from jax import lax
from jax.experimental import pallas as pl
from jax.experimental.pallas import tpu as pltpu
from jax.experimental.pallas import tpu_sc as plsc

_N = 10000
_E = 320000
_D = 128
_H = 16
_PACK = 8
_NPR = _N // _PACK

_NC, _NS = 2, 16
_NW = _NC * _NS
_CH = 128
_KCH = 80
_EP = _NW * _KCH * _CH
_CHK = 8
_NCH = _KCH // _CHK
_NBUF = 3
_NPAD = 10240
_TRASH = _N
_RD = _NPAD // _NS
_ZCH = _RD // _CH

_HIGH = lax.Precision.HIGHEST


def _sc_agg_body(p_hbm, src_hbm, dst_hbm, out_hbm,
                 src_v, dst_v, rows_v, zrow_v, gsem, ssem, acc):
    c = lax.axis_index("c")
    s = lax.axis_index("s")
    wid = s * _NC + c

    def _zrow(i, carry):
        zrow_v[0, i] = jnp.zeros((_H,), jnp.float32)
        return carry
    lax.fori_loop(0, _CH, _zrow, 0)

    def _zcopy(k, carry):
        pltpu.sync_copy(
            zrow_v, acc.at[pl.ds(0, 1), pl.ds(s * _RD + k * _CH, _CH)])
        return carry
    lax.fori_loop(0, _ZCH, _zcopy, 0)

    pltpu.sync_copy(src_hbm.at[pl.ds(wid * _NCH, _NCH)], src_v)
    pltpu.sync_copy(dst_hbm.at[pl.ds(wid * _NCH, _NCH)], dst_v)
    plsc.subcore_barrier()

    def _gather(m, buf):
        pltpu.async_copy(
            p_hbm.at[src_v.at[pl.ds(m, 1)]], rows_v.at[buf], gsem)

    for m in range(_NBUF - 1):
        _gather(m, m)

    def _edge_chunk(j, carry):
        b = j % _NBUF
        pltpu.make_async_copy(
            p_hbm.at[src_v.at[pl.ds(0, 1)]], rows_v.at[b], gsem).wait()
        pltpu.async_copy(
            rows_v.at[b], acc.at[dst_v.at[pl.ds(j, 1)]], ssem, add=True)

        @pl.when(j >= 1)
        def _():
            pltpu.make_async_copy(
                rows_v.at[b], acc.at[dst_v.at[pl.ds(0, 1)]], ssem).wait()

        @pl.when(j + _NBUF - 1 < _NCH)
        def _():
            _gather(j + _NBUF - 1, (j + _NBUF - 1) % _NBUF)
        return carry
    lax.fori_loop(0, _NCH, _edge_chunk, 0)

    pltpu.make_async_copy(
        rows_v.at[0], acc.at[dst_v.at[pl.ds(0, 1)]], ssem).wait()
    plsc.subcore_barrier()

    pltpu.sync_copy(acc.at[pl.ds(0, 1), pl.ds(s * _RD, _RD)],
                    out_hbm.at[c, pl.ds(0, 1), pl.ds(s * _RD, _RD)])


@functools.lru_cache(maxsize=1)
def _sc_agg_call():
    return pl.kernel(
        _sc_agg_body,
        out_type=jax.ShapeDtypeStruct((_NC, 1, _NPAD, _H), jnp.float32),
        mesh=plsc.VectorSubcoreMesh(core_axis_name="c", subcore_axis_name="s",
                                    num_cores=_NC, num_subcores=_NS),
        scratch_types=[
            pltpu.VMEM((_NCH, _CHK * _CH), jnp.int32),
            pltpu.VMEM((_NCH, _CHK * _CH), jnp.int32),
            pltpu.VMEM((_NBUF, 1, _CHK * _CH, _H), jnp.float32),
            pltpu.VMEM((1, _CH, _H), jnp.float32),
            pltpu.SemaphoreType.DMA,
            pltpu.SemaphoreType.DMA,
            pltpu.VMEM_SHARED((1, _NPAD, _H), jnp.float32),
        ],
        compiler_params=pltpu.CompilerParams(use_tc_tiling_on_sc=False),
    )


def _sc_agg(p, src_p, dst_p):
    return _sc_agg_call()(p, src_p, dst_p)


def _tc1_body(x_ref, w_ref, o_ref):
    o_ref[...] = lax.dot_general(
        x_ref[...], w_ref[...], (((1,), (0,)), ((), ())),
        preferred_element_type=jnp.float32, precision=_HIGH)


def _tc2_body(p_ref, parts_ref, w1b_ref, b1a_ref, b1b_ref, w2a_ref, o_ref):
    a1 = parts_ref[0, : _NPR, :] + parts_ref[1, : _NPR, :]
    z1 = jnp.maximum(p_ref[...] + a1 + b1a_ref[...], 0.0)
    h = lax.dot_general(z1, w1b_ref[...], (((1,), (0,)), ((), ())),
                        preferred_element_type=jnp.float32, precision=_HIGH)
    h = jnp.maximum(h + b1b_ref[...], 0.0)
    o_ref[...] = lax.dot_general(h, w2a_ref[...], (((1,), (0,)), ((), ())),
                                 preferred_element_type=jnp.float32,
                                 precision=_HIGH)


def _tc3_body(q_ref, parts_ref, w2b_ref, b2a_ref, b2b_ref, o_ref):
    a2 = parts_ref[0, : _NPR, :] + parts_ref[1, : _NPR, :]
    z2 = jnp.maximum(q_ref[...] + a2 + b2a_ref[...], 0.0)
    op = lax.dot_general(z2, w2b_ref[...], (((1,), (0,)), ((), ())),
                         preferred_element_type=jnp.float32, precision=_HIGH)
    op = op + b2b_ref[...]
    segs = []
    for k in range(_PACK):
        seg = op[:, k * _D:(k + 1) * _D]
        m = jnp.max(seg, axis=1, keepdims=True)
        lse = jnp.log(jnp.sum(jnp.exp(seg - m), axis=1, keepdims=True)) + m
        segs.append(seg - lse)
    o_ref[...] = jnp.concatenate(segs, axis=1)


_tc1 = pl.pallas_call(
    _tc1_body,
    out_shape=jax.ShapeDtypeStruct((_NPR, _D), jnp.float32),
)

_tc2 = pl.pallas_call(
    _tc2_body,
    out_shape=jax.ShapeDtypeStruct((_NPR, _D), jnp.float32),
)

_tc3 = pl.pallas_call(
    _tc3_body,
    out_shape=jax.ShapeDtypeStruct((_NPR, _PACK * _D), jnp.float32),
)


def kernel(x, edge_index, W1a, b1a, W1b, b1b, W2a, b2a, W2b, b2b):
    pad = _EP - _E
    chunk = _CHK * _CH
    src_p = jnp.concatenate(
        [edge_index[0], jnp.zeros((pad,), jnp.int32)]).reshape(
            _EP // chunk, chunk)
    dst_p = jnp.concatenate(
        [edge_index[1], jnp.full((pad,), _TRASH, jnp.int32)]).reshape(
            _EP // chunk, chunk)

    eye = jnp.eye(_PACK, dtype=jnp.float32)
    w1a_bd = jnp.kron(eye, W1a)
    w1b_bd = jnp.kron(eye, W1b)
    w2a_bd = jnp.kron(eye, W2a)
    w2b_bd = jnp.kron(eye, W2b)
    b1a_t = jnp.tile(b1a, _PACK)[None]
    b1b_t = jnp.tile(b1b, _PACK)[None]
    b2a_t = jnp.tile(b2a, _PACK)[None]
    b2b_t = jnp.tile(b2b, _PACK)[None]

    xp = x.reshape(_NPR, _PACK * _D)

    p = _tc1(xp, w1a_bd)
    agg1 = _sc_agg(p.reshape(1, _N, _H), src_p, dst_p)
    agg1 = agg1.reshape(_NC, _NPAD // _PACK, _PACK * _H)
    q = _tc2(p, agg1, w1b_bd, b1a_t, b1b_t, w2a_bd)
    agg2 = _sc_agg(q.reshape(1, _N, _H), src_p, dst_p)
    agg2 = agg2.reshape(_NC, _NPAD // _PACK, _PACK * _H)
    outp = _tc3(q, agg2, w2b_bd, b2a_t, b2b_t)
    return outp.reshape(_N, _D)

# --- scband reference (transcript-rebuilt; emitter-appended) ---
"""Pipeline reference for scband-gin-36498632082155 (READ-ONLY COPY).

The authoritative reference and input builder live on the scoring server;
editing this copy changes nothing except your own understanding.
"""

import jax, jax.numpy as jnp
import numpy as np

N = 10000
E = 320000
D_IN = 128
H = 16
D_OUT = 128


def setup_inputs(seed: int = 0) -> dict:
    key = jax.random.key(seed)
    ks = jax.random.split(key, 12)
    x = jax.random.normal(ks[0], (N, D_IN), dtype=jnp.float32)
    edge_index = jax.random.randint(ks[1], (2, E), 0, N, dtype=jnp.int32)
    def lin(k, fan_in, fan_out):
        bound = 1.0 / np.sqrt(fan_in)
        kw, kb = jax.random.split(k)
        W = jax.random.uniform(kw, (fan_in, fan_out), minval=-bound, maxval=bound, dtype=jnp.float32)
        b = jax.random.uniform(kb, (fan_out,), minval=-bound, maxval=bound, dtype=jnp.float32)
        return W, b
    W1a, b1a = lin(ks[2], D_IN, H)
    W1b, b1b = lin(ks[3], H, H)
    W2a, b2a = lin(ks[4], H, H)
    W2b, b2b = lin(ks[5], H, D_OUT)
    return {"x": x, "edge_index": edge_index,
            "W1a": W1a, "b1a": b1a, "W1b": W1b, "b1b": b1b,
            "W2a": W2a, "b2a": b2a, "W2b": W2b, "b2b": b2b}


def _gin_conv(h, src, dst, Wa, ba, Wb, bb):
    # GINConv: nn((1 + eps) * x + sum_{j in N(i)} x_j), default eps = 0
    msgs = jnp.take(h, src, axis=0)
    agg = jax.ops.segment_sum(msgs, dst, num_segments=N)
    z = h + agg
    z = jnp.maximum(z @ Wa + ba, 0.0)
    return z @ Wb + bb


def reference(x, edge_index, W1a, b1a, W1b, b1b, W2a, b2a, W2b, b2b):
    src = edge_index[0]
    dst = edge_index[1]
    h = jnp.maximum(_gin_conv(x, src, dst, W1a, b1a, W1b, b1b), 0.0)
    out = _gin_conv(h, src, dst, W2a, b2a, W2b, b2b)
    return jax.nn.log_softmax(out, axis=1)

if __name__ == "__main__":
    import jax
    _d = setup_inputs()
    print(jax.jit(kernel)(*tuple(_d.values())))

</pallas_src>

<mosaic_0001>
#map = affine_map<(d0, d1) -> (0, 0, 0)>
#map1 = affine_map<(d0, d1) -> (0, 0)>
#map2 = affine_map<(d0, d1) -> (0, 0, 0, 0)>
module attributes {stable_mosaic.version = 14 : i64} {
  func.func @_sc_agg_body(%arg0: i32, %arg1: i32, %arg2: memref<1x10000x16xf32, #tpu.memory_space<hbm>>, %arg3: memref<320x1024xi32, #tpu.memory_space<hbm>>, %arg4: memref<320x1024xi32, #tpu.memory_space<hbm>>, %arg5: memref<2x1x10240x16xf32, #tpu.memory_space<hbm>>, %arg6: memref<10x1024xi32, #tpu.memory_space<vmem>>, %arg7: memref<10x1024xi32, #tpu.memory_space<vmem>>, %arg8: memref<3x1x1024x16xf32, #tpu.memory_space<vmem>>, %arg9: memref<1x128x16xf32, #tpu.memory_space<vmem>>, %arg10: memref<!tpu.dma_semaphore, #tpu.memory_space<semaphore_mem>>, %arg11: memref<!tpu.dma_semaphore, #tpu.memory_space<semaphore_mem>>, %arg12: memref<1x10240x16xf32, #tpu.memory_space<vmem_shared>>) attributes {dimension_semantics = [#tpu.dimension_semantics<core_parallel>, #tpu.dimension_semantics<subcore_parallel>], iteration_bounds = array<i64: 2, 16>, scalar_prefetch = 0 : i64, scratch_operands = 7 : i64, tpu.core_type = #tpu.core_type<sc_vector_subcore>, window_params = [{transform_indices = #map}, {transform_indices = #map1}, {transform_indices = #map1}, {transform_indices = #map2}]} {
    %mul3A = arith.constant 2 : i32
    %mul3A_0 = arith.muli %arg1, %mul3A : i32
    %add3A = arith.addi %mul3A_0, %arg0 : i32
    %scan3A = arith.constant 0 : i32
    %scan3A_1 = arith.constant 0 : i32
    %scan3A_2 = arith.constant 128 : i32
    %scan3A_3 = arith.addi %scan3A_1, %scan3A_2 : i32
    %scan3A_4 = arith.constant 1 : i32
    scf.for %scan3A_64 = %scan3A_1 to %scan3A_3 step %scan3A_4  : i32 {
      %broadcast_in_dim3A = arith.constant 0.000000e+00 : f32
      %broadcast_in_dim3A_65 = vector.broadcast %broadcast_in_dim3A : f32 to vector<16xf32>
      %swap3A = arith.constant 0 : i32
      %swap3A_66 = arith.index_cast %swap3A : i32 to index
      %swap3A_67 = arith.index_cast %scan3A_64 : i32 to index
      %swap3A_68 = arith.constant 0 : index
      %swap3A_69 = tpu.vector_load %arg9[%swap3A_66, %swap3A_67, %swap3A_68] {strides = array<i32>} : memref<1x128x16xf32, #tpu.memory_space<vmem>>, vector<1x1x16xf32>,
      %swap3A_70 = vector.shape_cast %swap3A_69 : vector<1x1x16xf32> to vector<16xf32>
      %swap3A_71 = vector.shape_cast %broadcast_in_dim3A_65 : vector<16xf32> to vector<1x1x16xf32>
      tpu.vector_store %arg9[%swap3A_66, %swap3A_67, %swap3A_68], %swap3A_71 {strides = array<i32>} : memref<1x128x16xf32, #tpu.memory_space<vmem>>, vector<1x1x16xf32>,
    }
    %scan3A_5 = arith.constant 128 : i32
    %scan3A_6 = arith.constant 0 : i32
    %scan3A_7 = arith.constant 0 : i32
    %scan3A_8 = arith.constant 5 : i32
    %scan3A_9 = arith.addi %scan3A_7, %scan3A_8 : i32
    %scan3A_10 = arith.constant 1 : i32
    scf.for %scan3A_64 = %scan3A_7 to %scan3A_9 step %scan3A_10  : i32 {
      %mul3A_65 = arith.constant 640 : i32
      %mul3A_66 = arith.muli %arg1, %mul3A_65 : i32
      %mul3A_67 = arith.constant 128 : i32
      %mul3A_68 = arith.muli %scan3A_64, %mul3A_67 : i32
      %add3A_69 = arith.addi %mul3A_66, %mul3A_68 : i32
      "tpu.region"() ({
        %run_scoped3A = tpu.sem_alloc : memref<!tpu.dma_semaphore, #tpu.memory_space<semaphore_mem>>
        %dma_start3A_70 = arith.constant 0 : i32
        %dma_start3A_71 = arith.constant 0 : i32
        %dma_start3A_72 = tpu.memref_slice %arg12[%dma_start3A_70, %add3A_69, %dma_start3A_71] : memref<1x10240x16xf32, #tpu.memory_space<vmem_shared>> -> memref<1x128x16xf32, #tpu.memory_space<vmem_shared>>
        %dma_start3A_73 = arith.constant 0 : i32
        %dma_start3A_74 = arith.constant 0 : i32
        %dma_start3A_75 = tpu.memref_slice %arg12[%dma_start3A_73, %add3A_69, %dma_start3A_74] : memref<1x10240x16xf32, #tpu.memory_space<vmem_shared>> -> memref<1x128x16xf32, #tpu.memory_space<vmem_shared>>
        tpu.enqueue_dma source(%arg9 : memref<1x128x16xf32, #tpu.memory_space<vmem>>) target(%dma_start3A_75 : memref<1x128x16xf32, #tpu.memory_space<vmem_shared>>) target_semaphore(%run_scoped3A : memref<!tpu.dma_semaphore, #tpu.memory_space<semaphore_mem>>)
        %dma_wait3A_76 = arith.constant 0 : i32
        %dma_wait3A_77 = arith.constant 0 : i32
        %dma_wait3A_78 = tpu.memref_slice %arg12[%dma_wait3A_76, %add3A_69, %dma_wait3A_77] : memref<1x10240x16xf32, #tpu.memory_space<vmem_shared>> -> memref<1x128x16xf32, #tpu.memory_space<vmem_shared>>
        %dma_wait3A_79 = arith.constant 0 : i32
        %dma_wait3A_80 = arith.constant 0 : i32
        %dma_wait3A_81 = tpu.memref_slice %arg12[%dma_wait3A_79, %add3A_69, %dma_wait3A_80] : memref<1x10240x16xf32, #tpu.memory_space<vmem_shared>> -> memref<1x128x16xf32, #tpu.memory_space<vmem_shared>>
        tpu.wait_dma2 semaphore(%run_scoped3A : memref<!tpu.dma_semaphore, #tpu.memory_space<semaphore_mem>>) src(%arg9 : memref<1x128x16xf32, #tpu.memory_space<vmem>>) dst(%dma_wait3A_81 : memref<1x128x16xf32, #tpu.memory_space<vmem_shared>>)
        tpu.yield
      }) : () -> ()
    }
    %scan3A_11 = arith.constant 5 : i32
    %mul3A_12 = arith.constant 10 : i32
    %mul3A_13 = arith.muli %add3A, %mul3A_12 : i32
    "tpu.region"() ({
      %run_scoped3A = tpu.sem_alloc : memref<!tpu.dma_semaphore, #tpu.memory_space<semaphore_mem>>
      %dma_start3A_64 = arith.constant 0 : i32
      %dma_start3A_65 = tpu.memref_slice %arg3[%mul3A_13, %dma_start3A_64] : memref<320x1024xi32, #tpu.memory_space<hbm>> -> memref<10x1024xi32, #tpu.memory_space<hbm>>
      %dma_start3A_66 = arith.constant 0 : i32
      %dma_start3A_67 = tpu.memref_slice %arg3[%mul3A_13, %dma_start3A_66] : memref<320x1024xi32, #tpu.memory_space<hbm>> -> memref<10x1024xi32, #tpu.memory_space<hbm>>
      tpu.enqueue_dma source(%dma_start3A_67 : memref<10x1024xi32, #tpu.memory_space<hbm>>) target(%arg6 : memref<10x1024xi32, #tpu.memory_space<vmem>>) target_semaphore(%run_scoped3A : memref<!tpu.dma_semaphore, #tpu.memory_space<semaphore_mem>>)
      %dma_wait3A_68 = arith.constant 0 : i32
      %dma_wait3A_69 = tpu.memref_slice %arg3[%mul3A_13, %dma_wait3A_68] : memref<320x1024xi32, #tpu.memory_space<hbm>> -> memref<10x1024xi32, #tpu.memory_space<hbm>>
      %dma_wait3A_70 = arith.constant 0 : i32
      %dma_wait3A_71 = tpu.memref_slice %arg3[%mul3A_13, %dma_wait3A_70] : memref<320x1024xi32, #tpu.memory_space<hbm>> -> memref<10x1024xi32, #tpu.memory_space<hbm>>
      tpu.wait_dma2 semaphore(%run_scoped3A : memref<!tpu.dma_semaphore, #tpu.memory_space<semaphore_mem>>) src(%dma_wait3A_71 : memref<10x1024xi32, #tpu.memory_space<hbm>>) dst(%arg6 : memref<10x1024xi32, #tpu.memory_space<vmem>>)
      tpu.yield
    }) : () -> ()
    %mul3A_14 = arith.constant 10 : i32
    %mul3A_15 = arith.muli %add3A, %mul3A_14 : i32
    "tpu.region"() ({
      %run_scoped3A = tpu.sem_alloc : memref<!tpu.dma_semaphore, #tpu.memory_space<semaphore_mem>>
      %dma_start3A_64 = arith.constant 0 : i32
      %dma_start3A_65 = tpu.memref_slice %arg4[%mul3A_15, %dma_start3A_64] : memref<320x1024xi32, #tpu.memory_space<hbm>> -> memref<10x1024xi32, #tpu.memory_space<hbm>>
      %dma_start3A_66 = arith.constant 0 : i32
      %dma_start3A_67 = tpu.memref_slice %arg4[%mul3A_15, %dma_start3A_66] : memref<320x1024xi32, #tpu.memory_space<hbm>> -> memref<10x1024xi32, #tpu.memory_space<hbm>>
      tpu.enqueue_dma source(%dma_start3A_67 : memref<10x1024xi32, #tpu.memory_space<hbm>>) target(%arg7 : memref<10x1024xi32, #tpu.memory_space<vmem>>) target_semaphore(%run_scoped3A : memref<!tpu.dma_semaphore, #tpu.memory_space<semaphore_mem>>)
      %dma_wait3A_68 = arith.constant 0 : i32
      %dma_wait3A_69 = tpu.memref_slice %arg4[%mul3A_15, %dma_wait3A_68] : memref<320x1024xi32, #tpu.memory_space<hbm>> -> memref<10x1024xi32, #tpu.memory_space<hbm>>
      %dma_wait3A_70 = arith.constant 0 : i32
      %dma_wait3A_71 = tpu.memref_slice %arg4[%mul3A_15, %dma_wait3A_70] : memref<320x1024xi32, #tpu.memory_space<hbm>> -> memref<10x1024xi32, #tpu.memory_space<hbm>>
      tpu.wait_dma2 semaphore(%run_scoped3A : memref<!tpu.dma_semaphore, #tpu.memory_space<semaphore_mem>>) src(%dma_wait3A_71 : memref<10x1024xi32, #tpu.memory_space<hbm>>) dst(%arg7 : memref<10x1024xi32, #tpu.memory_space<vmem>>)
      tpu.yield
    }) : () -> ()
    %barrier3A = arith.constant 0 : index
    tpu.barrier barrier_id(%barrier3A)
    %dma_start3A = arith.constant 0 : i32
    %dma_start3A_16 = arith.constant 0 : i32
    %dma_start3A_17 = arith.constant 0 : i32
    %dma_start3A_18 = arith.constant 0 : i32
    %dma_start3A_19 = tpu.memref_slice %arg8[%dma_start3A, %dma_start3A_16, %dma_start3A_17, %dma_start3A_18] : memref<3x1x1024x16xf32, #tpu.memory_space<vmem>> -> memref<1x1x1024x16xf32, #tpu.memory_space<vmem>>
    %dma_start3A_20 = tpu.memref_squeeze %dma_start3A_19 : memref<1x1x1024x16xf32, #tpu.memory_space<vmem>> -> memref<1x1024x16xf32, #tpu.memory_space<vmem>>
    %dma_start3A_21 = arith.constant 0 : i32
    %dma_start3A_22 = arith.constant 0 : i32
    %dma_start3A_23 = tpu.memref_slice %arg6[%dma_start3A_21, %dma_start3A_22] : memref<10x1024xi32, #tpu.memory_space<vmem>> -> memref<1x1024xi32, #tpu.memory_space<vmem>>
    %dma_start3A_24 = arith.constant 0 : i32
    %dma_start3A_25 = arith.constant 0 : i32
    %dma_start3A_26 = arith.constant 0 : i32
    %dma_start3A_27 = tpu.memref_slice %arg2[%dma_start3A_24, %dma_start3A_25, %dma_start3A_26] : memref<1x10000x16xf32, #tpu.memory_space<hbm>> -> memref<1x10000x16xf32, #tpu.memory_space<hbm>>
    tpu.enqueue_indirect_dma source(%dma_start3A_27 : memref<1x10000x16xf32, #tpu.memory_space<hbm>>) target(%dma_start3A_20 : memref<1x1024x16xf32, #tpu.memory_space<vmem>>) offsets(%dma_start3A_23 : memref<1x1024xi32, #tpu.memory_space<vmem>>) semaphore(%arg10 : memref<!tpu.dma_semaphore, #tpu.memory_space<semaphore_mem>>)
    %dma_start3A_28 = arith.constant 1 : i32
    %dma_start3A_29 = arith.constant 0 : i32
    %dma_start3A_30 = arith.constant 0 : i32
    %dma_start3A_31 = arith.constant 0 : i32
    %dma_start3A_32 = tpu.memref_slice %arg8[%dma_start3A_28, %dma_start3A_29, %dma_start3A_30, %dma_start3A_31] : memref<3x1x1024x16xf32, #tpu.memory_space<vmem>> -> memref<1x1x1024x16xf32, #tpu.memory_space<vmem>>
    %dma_start3A_33 = tpu.memref_squeeze %dma_start3A_32 : memref<1x1x1024x16xf32, #tpu.memory_space<vmem>> -> memref<1x1024x16xf32, #tpu.memory_space<vmem>>
    %dma_start3A_34 = arith.constant 1 : i32
    %dma_start3A_35 = arith.constant 0 : i32
    %dma_start3A_36 = tpu.memref_slice %arg6[%dma_start3A_34, %dma_start3A_35] : memref<10x1024xi32, #tpu.memory_space<vmem>> -> memref<1x1024xi32, #tpu.memory_space<vmem>>
    %dma_start3A_37 = arith.constant 0 : i32
    %dma_start3A_38 = arith.constant 0 : i32
    %dma_start3A_39 = arith.constant 0 : i32
    %dma_start3A_40 = tpu.memref_slice %arg2[%dma_start3A_37, %dma_start3A_38, %dma_start3A_39] : memref<1x10000x16xf32, #tpu.memory_space<hbm>> -> memref<1x10000x16xf32, #tpu.memory_space<hbm>>
    tpu.enqueue_indirect_dma source(%dma_start3A_40 : memref<1x10000x16xf32, #tpu.memory_space<hbm>>) target(%dma_start3A_33 : memref<1x1024x16xf32, #tpu.memory_space<vmem>>) offsets(%dma_start3A_36 : memref<1x1024xi32, #tpu.memory_space<vmem>>) semaphore(%arg10 : memref<!tpu.dma_semaphore, #tpu.memory_space<semaphore_mem>>)
    %scan3A_41 = arith.constant 0 : i32
    %scan3A_42 = arith.constant 0 : i32
    %scan3A_43 = arith.constant 10 : i32
    %scan3A_44 = arith.addi %scan3A_42, %scan3A_43 : i32
    %scan3A_45 = arith.constant 1 : i32
    scf.for %scan3A_64 = %scan3A_42 to %scan3A_44 step %scan3A_45  : i32 {
      %jit3A = arith.constant 3 : i32
      %eq3A = arith.constant 0 : i32
      %eq3A_65 = arith.cmpi eq, %jit3A, %eq3A : i32
      %jit3A_66 = arith.constant 1 : i32
      %select_n3A = arith.select %eq3A_65, %jit3A_66, %jit3A : i32
      %rem3A = arith.remsi %scan3A_64, %select_n3A : i32
      %ne3A = arith.constant 0 : i32
      %ne3A_67 = arith.cmpi ne, %rem3A, %ne3A : i32
      %lt3A = arith.constant 0 : i32
      %lt3A_68 = arith.cmpi slt, %rem3A, %lt3A : i32
      %lt3A_69 = arith.constant 0 : i32
      %lt3A_70 = arith.cmpi slt, %select_n3A, %lt3A_69 : i32
      %ne3A_71 = arith.xori %lt3A_68, %lt3A_70 : i1
      %and3A = arith.andi %ne3A_71, %ne3A_67 : i1
      %add3A_72 = arith.addi %rem3A, %select_n3A : i32
      %select_n3A_73 = arith.select %and3A, %add3A_72, %rem3A : i32
      %dma_wait3A_74 = arith.constant 0 : i32
      %dma_wait3A_75 = arith.constant 0 : i32
      %dma_wait3A_76 = arith.constant 0 : i32
      %dma_wait3A_77 = tpu.memref_slice %arg8[%select_n3A_73, %dma_wait3A_74, %dma_wait3A_75, %dma_wait3A_76] : memref<3x1x1024x16xf32, #tpu.memory_space<vmem>> -> memref<1x1x1024x16xf32, #tpu.memory_space<vmem>>
      %dma_wait3A_78 = tpu.memref_squeeze %dma_wait3A_77 : memref<1x1x1024x16xf32, #tpu.memory_space<vmem>> -> memref<1x1024x16xf32, #tpu.memory_space<vmem>>
      %dma_wait3A_79 = arith.constant 0 : i32
      %dma_wait3A_80 = arith.constant 0 : i32
      %dma_wait3A_81 = tpu.memref_slice %arg6[%dma_wait3A_79, %dma_wait3A_80] : memref<10x1024xi32, #tpu.memory_space<vmem>> -> memref<1x1024xi32, #tpu.memory_space<vmem>>
      %dma_wait3A_82 = arith.constant 0 : i32
      %dma_wait3A_83 = arith.constant 0 : i32
      %dma_wait3A_84 = arith.constant 0 : i32
      %dma_wait3A_85 = tpu.memref_slice %arg2[%dma_wait3A_82, %dma_wait3A_83, %dma_wait3A_84] : memref<1x10000x16xf32, #tpu.memory_space<hbm>> -> memref<1x10000x16xf32, #tpu.memory_space<hbm>>
      tpu.wait_indirect_dma semaphore(%arg10 : memref<!tpu.dma_semaphore, #tpu.memory_space<semaphore_mem>>) src(%dma_wait3A_85 : memref<1x10000x16xf32, #tpu.memory_space<hbm>>) dst(%dma_wait3A_78 : memref<1x1024x16xf32, #tpu.memory_space<vmem>>)
      %dma_start3A_86 = arith.constant 0 : i32
      %dma_start3A_87 = arith.constant 0 : i32
      %dma_start3A_88 = arith.constant 0 : i32
      %dma_start3A_89 = tpu.memref_slice %arg8[%select_n3A_73, %dma_start3A_86, %dma_start3A_87, %dma_start3A_88] : memref<3x1x1024x16xf32, #tpu.memory_space<vmem>> -> memref<1x1x1024x16xf32, #tpu.memory_space<vmem>>
      %dma_start3A_90 = tpu.memref_squeeze %dma_start3A_89 : memref<1x1x1024x16xf32, #tpu.memory_space<vmem>> -> memref<1x1024x16xf32, #tpu.memory_space<vmem>>
      %dma_start3A_91 = arith.constant 0 : i32
      %dma_start3A_92 = tpu.memref_slice %arg7[%scan3A_64, %dma_start3A_91] : memref<10x1024xi32, #tpu.memory_space<vmem>> -> memref<1x1024xi32, #tpu.memory_space<vmem>>
      %dma_start3A_93 = arith.constant 0 : i32
      %dma_start3A_94 = arith.constant 0 : i32
      %dma_start3A_95 = arith.constant 0 : i32
      %dma_start3A_96 = tpu.memref_slice %arg12[%dma_start3A_93, %dma_start3A_94, %dma_start3A_95] : memref<1x10240x16xf32, #tpu.memory_space<vmem_shared>> -> memref<1x10240x16xf32, #tpu.memory_space<vmem_shared>>
      tpu.enqueue_indirect_dma source(%dma_start3A_90 : memref<1x1024x16xf32, #tpu.memory_space<vmem>>) target(%dma_start3A_96 : memref<1x10240x16xf32, #tpu.memory_space<vmem_shared>>) offsets(%dma_start3A_92 : memref<1x1024xi32, #tpu.memory_space<vmem>>) semaphore(%arg11 : memref<!tpu.dma_semaphore, #tpu.memory_space<semaphore_mem>>) {add = true}
      %ge3A = arith.constant 1 : i32
      %ge3A_97 = arith.cmpi sge, %scan3A_64, %ge3A : i32
      %convert_element_type3A = arith.extui %ge3A_97 : i1 to i32
      %cond3A = arith.constant 0 : i32
      %cond3A_98 = arith.cmpi ne, %convert_element_type3A, %cond3A : i32
      scf.if %cond3A_98 {
        %dma_wait3A_107 = arith.constant 0 : i32
        %dma_wait3A_108 = arith.constant 0 : i32
        %dma_wait3A_109 = arith.constant 0 : i32
        %dma_wait3A_110 = tpu.memref_slice %arg8[%select_n3A_73, %dma_wait3A_107, %dma_wait3A_108, %dma_wait3A_109] : memref<3x1x1024x16xf32, #tpu.memory_space<vmem>> -> memref<1x1x1024x16xf32, #tpu.memory_space<vmem>>
        %dma_wait3A_111 = tpu.memref_squeeze %dma_wait3A_110 : memref<1x1x1024x16xf32, #tpu.memory_space<vmem>> -> memref<1x1024x16xf32, #tpu.memory_space<vmem>>
        %dma_wait3A_112 = arith.constant 0 : i32
        %dma_wait3A_113 = arith.constant 0 : i32
        %dma_wait3A_114 = tpu.memref_slice %arg7[%dma_wait3A_112, %dma_wait3A_113] : memref<10x1024xi32, #tpu.memory_space<vmem>> -> memref<1x1024xi32, #tpu.memory_space<vmem>>
        %dma_wait3A_115 = arith.constant 0 : i32
        %dma_wait3A_116 = arith.constant 0 : i32
        %dma_wait3A_117 = arith.constant 0 : i32
        %dma_wait3A_118 = tpu.memref_slice %arg12[%dma_wait3A_115, %dma_wait3A_116, %dma_wait3A_117] : memref<1x10240x16xf32, #tpu.memory_space<vmem_shared>> -> memref<1x10240x16xf32, #tpu.memory_space<vmem_shared>>
        tpu.wait_indirect_dma semaphore(%arg11 : memref<!tpu.dma_semaphore, #tpu.memory_space<semaphore_mem>>) src(%dma_wait3A_111 : memref<1x1024x16xf32, #tpu.memory_space<vmem>>) dst(%dma_wait3A_118 : memref<1x10240x16xf32, #tpu.memory_space<vmem_shared>>)
      } else {
      }
      %add3A_99 = arith.constant 3 : i32
      %add3A_100 = arith.addi %scan3A_64, %add3A_99 : i32
      %sub3A = arith.constant 1 : i32
      %sub3A_101 = arith.subi %add3A_100, %sub3A : i32
      %lt3A_102 = arith.constant 10 : i32
      %lt3A_103 = arith.cmpi slt, %sub3A_101, %lt3A_102 : i32
      %convert_element_type3A_104 = arith.extui %lt3A_103 : i1 to i32
      %cond3A_105 = arith.constant 0 : i32
      %cond3A_106 = arith.cmpi ne, %convert_element_type3A_104, %cond3A_105 : i32
      scf.if %cond3A_106 {
        %add3A_107 = arith.constant 3 : i32
        %add3A_108 = arith.addi %scan3A_64, %add3A_107 : i32
        %sub3A_109 = arith.constant 1 : i32
        %sub3A_110 = arith.subi %add3A_108, %sub3A_109 : i32
        %add3A_111 = arith.constant 3 : i32
        %add3A_112 = arith.addi %scan3A_64, %add3A_111 : i32
        %sub3A_113 = arith.constant 1 : i32
        %sub3A_114 = arith.subi %add3A_112, %sub3A_113 : i32
        %jit3A_115 = arith.constant 3 : i32
        %eq3A_116 = arith.constant 0 : i32
        %eq3A_117 = arith.cmpi eq, %jit3A_115, %eq3A_116 : i32
        %jit3A_118 = arith.constant 1 : i32
        %select_n3A_119 = arith.select %eq3A_117, %jit3A_118, %jit3A_115 : i32
        %rem3A_120 = arith.remsi %sub3A_114, %select_n3A_119 : i32
        %ne3A_121 = arith.constant 0 : i32
        %ne3A_122 = arith.cmpi ne, %rem3A_120, %ne3A_121 : i32
        %lt3A_123 = arith.constant 0 : i32
        %lt3A_124 = arith.cmpi slt, %rem3A_120, %lt3A_123 : i32
        %lt3A_125 = arith.constant 0 : i32
        %lt3A_126 = arith.cmpi slt, %select_n3A_119, %lt3A_125 : i32
        %ne3A_127 = arith.xori %lt3A_124, %lt3A_126 : i1
        %and3A_128 = arith.andi %ne3A_127, %ne3A_122 : i1
        %add3A_129 = arith.addi %rem3A_120, %select_n3A_119 : i32
        %select_n3A_130 = arith.select %and3A_128, %add3A_129, %rem3A_120 : i32
        %dma_start3A_131 = arith.constant 0 : i32
        %dma_start3A_132 = arith.constant 0 : i32
        %dma_start3A_133 = arith.constant 0 : i32
        %dma_start3A_134 = tpu.memref_slice %arg8[%select_n3A_130, %dma_start3A_131, %dma_start3A_132, %dma_start3A_133] : memref<3x1x1024x16xf32, #tpu.memory_space<vmem>> -> memref<1x1x1024x16xf32, #tpu.memory_space<vmem>>
        %dma_start3A_135 = tpu.memref_squeeze %dma_start3A_134 : memref<1x1x1024x16xf32, #tpu.memory_space<vmem>> -> memref<1x1024x16xf32, #tpu.memory_space<vmem>>
        %dma_start3A_136 = arith.constant 0 : i32
        %dma_start3A_137 = tpu.memref_slice %arg6[%sub3A_110, %dma_start3A_136] : memref<10x1024xi32, #tpu.memory_space<vmem>> -> memref<1x1024xi32, #tpu.memory_space<vmem>>
        %dma_start3A_138 = arith.constant 0 : i32
        %dma_start3A_139 = arith.constant 0 : i32
        %dma_start3A_140 = arith.constant 0 : i32
        %dma_start3A_141 = tpu.memref_slice %arg2[%dma_start3A_138, %dma_start3A_139, %dma_start3A_140] : memref<1x10000x16xf32, #tpu.memory_space<hbm>> -> memref<1x10000x16xf32, #tpu.memory_space<hbm>>
        tpu.enqueue_indirect_dma source(%dma_start3A_141 : memref<1x10000x16xf32, #tpu.memory_space<hbm>>) target(%dma_start3A_135 : memref<1x1024x16xf32, #tpu.memory_space<vmem>>) offsets(%dma_start3A_137 : memref<1x1024xi32, #tpu.memory_space<vmem>>) semaphore(%arg10 : memref<!tpu.dma_semaphore, #tpu.memory_space<semaphore_mem>>)
      } else {
      }
    }
    %scan3A_46 = arith.constant 10 : i32
    %dma_wait3A = arith.constant 0 : i32
    %dma_wait3A_47 = arith.constant 0 : i32
    %dma_wait3A_48 = arith.constant 0 : i32
    %dma_wait3A_49 = arith.constant 0 : i32
    %dma_wait3A_50 = tpu.memref_slice %arg8[%dma_wait3A, %dma_wait3A_47, %dma_wait3A_48, %dma_wait3A_49] : memref<3x1x1024x16xf32, #tpu.memory_space<vmem>> -> memref<1x1x1024x16xf32, #tpu.memory_space<vmem>>
    %dma_wait3A_51 = tpu.memref_squeeze %dma_wait3A_50 : memref<1x1x1024x16xf32, #tpu.memory_space<vmem>> -> memref<1x1024x16xf32, #tpu.memory_space<vmem>>
    %dma_wait3A_52 = arith.constant 0 : i32
    %dma_wait3A_53 = arith.constant 0 : i32
    %dma_wait3A_54 = tpu.memref_slice %arg7[%dma_wait3A_52, %dma_wait3A_53] : memref<10x1024xi32, #tpu.memory_space<vmem>> -> memref<1x1024xi32, #tpu.memory_space<vmem>>
    %dma_wait3A_55 = arith.constant 0 : i32
    %dma_wait3A_56 = arith.constant 0 : i32
    %dma_wait3A_57 = arith.constant 0 : i32
    %dma_wait3A_58 = tpu.memref_slice %arg12[%dma_wait3A_55, %dma_wait3A_56, %dma_wait3A_57] : memref<1x10240x16xf32, #tpu.memory_space<vmem_shared>> -> memref<1x10240x16xf32, #tpu.memory_space<vmem_shared>>
    tpu.wait_indirect_dma semaphore(%arg11 : memref<!tpu.dma_semaphore, #tpu.memory_space<semaphore_mem>>) src(%dma_wait3A_51 : memref<1x1024x16xf32, #tpu.memory_space<vmem>>) dst(%dma_wait3A_58 : memref<1x10240x16xf32, #tpu.memory_space<vmem_shared>>)
    %barrier3A_59 = arith.constant 0 : index
    tpu.barrier barrier_id(%barrier3A_59)
    %mul3A_60 = arith.constant 640 : i32
    %mul3A_61 = arith.muli %arg1, %mul3A_60 : i32
    %mul3A_62 = arith.constant 640 : i32
    %mul3A_63 = arith.muli %arg1, %mul3A_62 : i32
    "tpu.region"() ({
      %run_scoped3A = tpu.sem_alloc : memref<!tpu.dma_semaphore, #tpu.memory_space<semaphore_mem>>
      %dma_start3A_64 = arith.constant 0 : i32
      %dma_start3A_65 = arith.constant 0 : i32
      %dma_start3A_66 = tpu.memref_slice %arg5[%arg0, %dma_start3A_64, %mul3A_63, %dma_start3A_65] : memref<2x1x10240x16xf32, #tpu.memory_space<hbm>> -> memref<1x1x640x16xf32, #tpu.memory_space<hbm>>
      %dma_start3A_67 = tpu.memref_squeeze %dma_start3A_66 : memref<1x1x640x16xf32, #tpu.memory_space<hbm>> -> memref<1x640x16xf32, #tpu.memory_space<hbm>>
      %dma_start3A_68 = arith.constant 0 : i32
      %dma_start3A_69 = arith.constant 0 : i32
      %dma_start3A_70 = tpu.memref_slice %arg12[%dma_start3A_68, %mul3A_61, %dma_start3A_69] : memref<1x10240x16xf32, #tpu.memory_space<vmem_shared>> -> memref<1x640x16xf32, #tpu.memory_space<vmem_shared>>
      tpu.enqueue_dma source(%dma_start3A_70 : memref<1x640x16xf32, #tpu.memory_space<vmem_shared>>) target(%dma_start3A_67 : memref<1x640x16xf32, #tpu.memory_space<hbm>>) target_semaphore(%run_scoped3A : memref<!tpu.dma_semaphore, #tpu.memory_space<semaphore_mem>>)
      %dma_wait3A_71 = arith.constant 0 : i32
      %dma_wait3A_72 = arith.constant 0 : i32
      %dma_wait3A_73 = tpu.memref_slice %arg5[%arg0, %dma_wait3A_71, %mul3A_63, %dma_wait3A_72] : memref<2x1x10240x16xf32, #tpu.memory_space<hbm>> -> memref<1x1x640x16xf32, #tpu.memory_space<hbm>>
      %dma_wait3A_74 = tpu.memref_squeeze %dma_wait3A_73 : memref<1x1x640x16xf32, #tpu.memory_space<hbm>> -> memref<1x640x16xf32, #tpu.memory_space<hbm>>
      %dma_wait3A_75 = arith.constant 0 : i32
      %dma_wait3A_76 = arith.constant 0 : i32
      %dma_wait3A_77 = tpu.memref_slice %arg12[%dma_wait3A_75, %mul3A_61, %dma_wait3A_76] : memref<1x10240x16xf32, #tpu.memory_space<vmem_shared>> -> memref<1x640x16xf32, #tpu.memory_space<vmem_shared>>
      tpu.wait_dma2 semaphore(%run_scoped3A : memref<!tpu.dma_semaphore, #tpu.memory_space<semaphore_mem>>) src(%dma_wait3A_77 : memref<1x640x16xf32, #tpu.memory_space<vmem_shared>>) dst(%dma_wait3A_74 : memref<1x640x16xf32, #tpu.memory_space<hbm>>)
      tpu.yield
    }) : () -> ()
    return
  }
}

#map = affine_map<(d0, d1) -> (0, 0, 0)>
#map1 = affine_map<(d0, d1) -> (0, 0)>
#map2 = affine_map<(d0, d1) -> (0, 0, 0, 0)>
module attributes {stable_mosaic.version = 14 : i64} {
  func.func @_sc_agg_body(%arg0: i32, %arg1: i32, %arg2: memref<1x10000x16xf32, #tpu.memory_space<hbm>>, %arg3: memref<320x1024xi32, #tpu.memory_space<hbm>>, %arg4: memref<320x1024xi32, #tpu.memory_space<hbm>>, %arg5: memref<2x1x10240x16xf32, #tpu.memory_space<hbm>>, %arg6: memref<10x1024xi32, #tpu.memory_space<vmem>>, %arg7: memref<10x1024xi32, #tpu.memory_space<vmem>>, %arg8: memref<3x1x1024x16xf32, #tpu.memory_space<vmem>>, %arg9: memref<1x128x16xf32, #tpu.memory_space<vmem>>, %arg10: memref<!tpu.dma_semaphore, #tpu.memory_space<semaphore_mem>>, %arg11: memref<!tpu.dma_semaphore, #tpu.memory_space<semaphore_mem>>, %arg12: memref<1x10240x16xf32, #tpu.memory_space<vmem_shared>>) attributes {dimension_semantics = [#tpu.dimension_semantics<core_parallel>, #tpu.dimension_semantics<subcore_parallel>], iteration_bounds = array<i64: 2, 16>, scalar_prefetch = 0 : i64, scratch_operands = 7 : i64, tpu.core_type = #tpu.core_type<sc_vector_subcore>, window_params = [{transform_indices = #map}, {transform_indices = #map1}, {transform_indices = #map1}, {transform_indices = #map2}]} {
    %mul3A = arith.constant 2 : i32
    %mul3A_0 = arith.muli %arg1, %mul3A : i32
    %add3A = arith.addi %mul3A_0, %arg0 : i32
    %scan3A = arith.constant 0 : i32
    %scan3A_1 = arith.constant 0 : i32
    %scan3A_2 = arith.constant 128 : i32
    %scan3A_3 = arith.addi %scan3A_1, %scan3A_2 : i32
    %scan3A_4 = arith.constant 1 : i32
    scf.for %scan3A_64 = %scan3A_1 to %scan3A_3 step %scan3A_4  : i32 {
      %broadcast_in_dim3A = arith.constant 0.000000e+00 : f32
      %broadcast_in_dim3A_65 = vector.broadcast %broadcast_in_dim3A : f32 to vector<16xf32>
      %swap3A = arith.constant 0 : i32
      %swap3A_66 = arith.index_cast %swap3A : i32 to index
      %swap3A_67 = arith.index_cast %scan3A_64 : i32 to index
      %swap3A_68 = arith.constant 0 : index
      %swap3A_69 = tpu.vector_load %arg9[%swap3A_66, %swap3A_67, %swap3A_68] {strides = array<i32>} : memref<1x128x16xf32, #tpu.memory_space<vmem>>, vector<1x1x16xf32>,
      %swap3A_70 = vector.shape_cast %swap3A_69 : vector<1x1x16xf32> to vector<16xf32>
      %swap3A_71 = vector.shape_cast %broadcast_in_dim3A_65 : vector<16xf32> to vector<1x1x16xf32>
      tpu.vector_store %arg9[%swap3A_66, %swap3A_67, %swap3A_68], %swap3A_71 {strides = array<i32>} : memref<1x128x16xf32, #tpu.memory_space<vmem>>, vector<1x1x16xf32>,
    }
    %scan3A_5 = arith.constant 128 : i32
    %scan3A_6 = arith.constant 0 : i32
    %scan3A_7 = arith.constant 0 : i32
    %scan3A_8 = arith.constant 5 : i32
    %scan3A_9 = arith.addi %scan3A_7, %scan3A_8 : i32
    %scan3A_10 = arith.constant 1 : i32
    scf.for %scan3A_64 = %scan3A_7 to %scan3A_9 step %scan3A_10  : i32 {
      %mul3A_65 = arith.constant 640 : i32
      %mul3A_66 = arith.muli %arg1, %mul3A_65 : i32
      %mul3A_67 = arith.constant 128 : i32
      %mul3A_68 = arith.muli %scan3A_64, %mul3A_67 : i32
      %add3A_69 = arith.addi %mul3A_66, %mul3A_68 : i32
      "tpu.region"() ({
        %run_scoped3A = tpu.sem_alloc : memref<!tpu.dma_semaphore, #tpu.memory_space<semaphore_mem>>
        %dma_start3A_70 = arith.constant 0 : i32
        %dma_start3A_71 = arith.constant 0 : i32
        %dma_start3A_72 = tpu.memref_slice %arg12[%dma_start3A_70, %add3A_69, %dma_start3A_71] : memref<1x10240x16xf32, #tpu.memory_space<vmem_shared>> -> memref<1x128x16xf32, #tpu.memory_space<vmem_shared>>
        %dma_start3A_73 = arith.constant 0 : i32
        %dma_start3A_74 = arith.constant 0 : i32
        %dma_start3A_75 = tpu.memref_slice %arg12[%dma_start3A_73, %add3A_69, %dma_start3A_74] : memref<1x10240x16xf32, #tpu.memory_space<vmem_shared>> -> memref<1x128x16xf32, #tpu.memory_space<vmem_shared>>
        tpu.enqueue_dma source(%arg9 : memref<1x128x16xf32, #tpu.memory_space<vmem>>) target(%dma_start3A_75 : memref<1x128x16xf32, #tpu.memory_space<vmem_shared>>) target_semaphore(%run_scoped3A : memref<!tpu.dma_semaphore, #tpu.memory_space<semaphore_mem>>)
        %dma_wait3A_76 = arith.constant 0 : i32
        %dma_wait3A_77 = arith.constant 0 : i32
        %dma_wait3A_78 = tpu.memref_slice %arg12[%dma_wait3A_76, %add3A_69, %dma_wait3A_77] : memref<1x10240x16xf32, #tpu.memory_space<vmem_shared>> -> memref<1x128x16xf32, #tpu.memory_space<vmem_shared>>
        %dma_wait3A_79 = arith.constant 0 : i32
        %dma_wait3A_80 = arith.constant 0 : i32
        %dma_wait3A_81 = tpu.memref_slice %arg12[%dma_wait3A_79, %add3A_69, %dma_wait3A_80] : memref<1x10240x16xf32, #tpu.memory_space<vmem_shared>> -> memref<1x128x16xf32, #tpu.memory_space<vmem_shared>>
        tpu.wait_dma2 semaphore(%run_scoped3A : memref<!tpu.dma_semaphore, #tpu.memory_space<semaphore_mem>>) src(%arg9 : memref<1x128x16xf32, #tpu.memory_space<vmem>>) dst(%dma_wait3A_81 : memref<1x128x16xf32, #tpu.memory_space<vmem_shared>>)
        tpu.yield
      }) : () -> ()
    }
    %scan3A_11 = arith.constant 5 : i32
    %mul3A_12 = arith.constant 10 : i32
    %mul3A_13 = arith.muli %add3A, %mul3A_12 : i32
    "tpu.region"() ({
      %run_scoped3A = tpu.sem_alloc : memref<!tpu.dma_semaphore, #tpu.memory_space<semaphore_mem>>
      %dma_start3A_64 = arith.constant 0 : i32
      %dma_start3A_65 = tpu.memref_slice %arg3[%mul3A_13, %dma_start3A_64] : memref<320x1024xi32, #tpu.memory_space<hbm>> -> memref<10x1024xi32, #tpu.memory_space<hbm>>
      %dma_start3A_66 = arith.constant 0 : i32
      %dma_start3A_67 = tpu.memref_slice %arg3[%mul3A_13, %dma_start3A_66] : memref<320x1024xi32, #tpu.memory_space<hbm>> -> memref<10x1024xi32, #tpu.memory_space<hbm>>
      tpu.enqueue_dma source(%dma_start3A_67 : memref<10x1024xi32, #tpu.memory_space<hbm>>) target(%arg6 : memref<10x1024xi32, #tpu.memory_space<vmem>>) target_semaphore(%run_scoped3A : memref<!tpu.dma_semaphore, #tpu.memory_space<semaphore_mem>>)
      %dma_wait3A_68 = arith.constant 0 : i32
      %dma_wait3A_69 = tpu.memref_slice %arg3[%mul3A_13, %dma_wait3A_68] : memref<320x1024xi32, #tpu.memory_space<hbm>> -> memref<10x1024xi32, #tpu.memory_space<hbm>>
      %dma_wait3A_70 = arith.constant 0 : i32
      %dma_wait3A_71 = tpu.memref_slice %arg3[%mul3A_13, %dma_wait3A_70] : memref<320x1024xi32, #tpu.memory_space<hbm>> -> memref<10x1024xi32, #tpu.memory_space<hbm>>
      tpu.wait_dma2 semaphore(%run_scoped3A : memref<!tpu.dma_semaphore, #tpu.memory_space<semaphore_mem>>) src(%dma_wait3A_71 : memref<10x1024xi32, #tpu.memory_space<hbm>>) dst(%arg6 : memref<10x1024xi32, #tpu.memory_space<vmem>>)
      tpu.yield
    }) : () -> ()
    %mul3A_14 = arith.constant 10 : i32
    %mul3A_15 = arith.muli %add3A, %mul3A_14 : i32
    "tpu.region"() ({
      %run_scoped3A = tpu.sem_alloc : memref<!tpu.dma_semaphore, #tpu.memory_space<semaphore_mem>>
      %dma_start3A_64 = arith.constant 0 : i32
      %dma_start3A_65 = tpu.memref_slice %arg4[%mul3A_15, %dma_start3A_64] : memref<320x1024xi32, #tpu.memory_space<hbm>> -> memref<10x1024xi32, #tpu.memory_space<hbm>>
      %dma_start3A_66 = arith.constant 0 : i32
      %dma_start3A_67 = tpu.memref_slice %arg4[%mul3A_15, %dma_start3A_66] : memref<320x1024xi32, #tpu.memory_space<hbm>> -> memref<10x1024xi32, #tpu.memory_space<hbm>>
      tpu.enqueue_dma source(%dma_start3A_67 : memref<10x1024xi32, #tpu.memory_space<hbm>>) target(%arg7 : memref<10x1024xi32, #tpu.memory_space<vmem>>) target_semaphore(%run_scoped3A : memref<!tpu.dma_semaphore, #tpu.memory_space<semaphore_mem>>)
      %dma_wait3A_68 = arith.constant 0 : i32
      %dma_wait3A_69 = tpu.memref_slice %arg4[%mul3A_15, %dma_wait3A_68] : memref<320x1024xi32, #tpu.memory_space<hbm>> -> memref<10x1024xi32, #tpu.memory_space<hbm>>
      %dma_wait3A_70 = arith.constant 0 : i32
      %dma_wait3A_71 = tpu.memref_slice %arg4[%mul3A_15, %dma_wait3A_70] : memref<320x1024xi32, #tpu.memory_space<hbm>> -> memref<10x1024xi32, #tpu.memory_space<hbm>>
      tpu.wait_dma2 semaphore(%run_scoped3A : memref<!tpu.dma_semaphore, #tpu.memory_space<semaphore_mem>>) src(%dma_wait3A_71 : memref<10x1024xi32, #tpu.memory_space<hbm>>) dst(%arg7 : memref<10x1024xi32, #tpu.memory_space<vmem>>)
      tpu.yield
    }) : () -> ()
    %barrier3A = arith.constant 0 : index
    tpu.barrier barrier_id(%barrier3A)
    %dma_start3A = arith.constant 0 : i32
    %dma_start3A_16 = arith.constant 0 : i32
    %dma_start3A_17 = arith.constant 0 : i32
    %dma_start3A_18 = arith.constant 0 : i32
    %dma_start3A_19 = tpu.memref_slice %arg8[%dma_start3A, %dma_start3A_16, %dma_start3A_17, %dma_start3A_18] : memref<3x1x1024x16xf32, #tpu.memory_space<vmem>> -> memref<1x1x1024x16xf32, #tpu.memory_space<vmem>>
    %dma_start3A_20 = tpu.memref_squeeze %dma_start3A_19 : memref<1x1x1024x16xf32, #tpu.memory_space<vmem>> -> memref<1x1024x16xf32, #tpu.memory_space<vmem>>
    %dma_start3A_21 = arith.constant 0 : i32
    %dma_start3A_22 = arith.constant 0 : i32
    %dma_start3A_23 = tpu.memref_slice %arg6[%dma_start3A_21, %dma_start3A_22] : memref<10x1024xi32, #tpu.memory_space<vmem>> -> memref<1x1024xi32, #tpu.memory_space<vmem>>
    %dma_start3A_24 = arith.constant 0 : i32
    %dma_start3A_25 = arith.constant 0 : i32
    %dma_start3A_26 = arith.constant 0 : i32
    %dma_start3A_27 = tpu.memref_slice %arg2[%dma_start3A_24, %dma_start3A_25, %dma_start3A_26] : memref<1x10000x16xf32, #tpu.memory_space<hbm>> -> memref<1x10000x16xf32, #tpu.memory_space<hbm>>
    tpu.enqueue_indirect_dma source(%dma_start3A_27 : memref<1x10000x16xf32, #tpu.memory_space<hbm>>) target(%dma_start3A_20 : memref<1x1024x16xf32, #tpu.memory_space<vmem>>) offsets(%dma_start3A_23 : memref<1x1024xi32, #tpu.memory_space<vmem>>) semaphore(%arg10 : memref<!tpu.dma_semaphore, #tpu.memory_space<semaphore_mem>>)
    %dma_start3A_28 = arith.constant 1 : i32
    %dma_start3A_29 = arith.constant 0 : i32
    %dma_start3A_30 = arith.constant 0 : i32
    %dma_start3A_31 = arith.constant 0 : i32
    %dma_start3A_32 = tpu.memref_slice %arg8[%dma_start3A_28, %dma_start3A_29, %dma_start3A_30, %dma_start3A_31] : memref<3x1x1024x16xf32, #tpu.memory_space<vmem>> -> memref<1x1x1024x16xf32, #tpu.memory_space<vmem>>
    %dma_start3A_33 = tpu.memref_squeeze %dma_start3A_32 : memref<1x1x1024x16xf32, #tpu.memory_space<vmem>> -> memref<1x1024x16xf32, #tpu.memory_space<vmem>>
    %dma_start3A_34 = arith.constant 1 : i32
    %dma_start3A_35 = arith.constant 0 : i32
    %dma_start3A_36 = tpu.memref_slice %arg6[%dma_start3A_34, %dma_start3A_35] : memref<10x1024xi32, #tpu.memory_space<vmem>> -> memref<1x1024xi32, #tpu.memory_space<vmem>>
    %dma_start3A_37 = arith.constant 0 : i32
    %dma_start3A_38 = arith.constant 0 : i32
    %dma_start3A_39 = arith.constant 0 : i32
    %dma_start3A_40 = tpu.memref_slice %arg2[%dma_start3A_37, %dma_start3A_38, %dma_start3A_39] : memref<1x10000x16xf32, #tpu.memory_space<hbm>> -> memref<1x10000x16xf32, #tpu.memory_space<hbm>>
    tpu.enqueue_indirect_dma source(%dma_start3A_40 : memref<1x10000x16xf32, #tpu.memory_space<hbm>>) target(%dma_start3A_33 : memref<1x1024x16xf32, #tpu.memory_space<vmem>>) offsets(%dma_start3A_36 : memref<1x1024xi32, #tpu.memory_space<vmem>>) semaphore(%arg10 : memref<!tpu.dma_semaphore, #tpu.memory_space<semaphore_mem>>)
    %scan3A_41 = arith.constant 0 : i32
    %scan3A_42 = arith.constant 0 : i32
    %scan3A_43 = arith.constant 10 : i32
    %scan3A_44 = arith.addi %scan3A_42, %scan3A_43 : i32
    %scan3A_45 = arith.constant 1 : i32
    scf.for %scan3A_64 = %scan3A_42 to %scan3A_44 step %scan3A_45  : i32 {
      %jit3A = arith.constant 3 : i32
      %eq3A = arith.constant 0 : i32
      %eq3A_65 = arith.cmpi eq, %jit3A, %eq3A : i32
      %jit3A_66 = arith.constant 1 : i32
      %select_n3A = arith.select %eq3A_65, %jit3A_66, %jit3A : i32
      %rem3A = arith.remsi %scan3A_64, %select_n3A : i32
      %ne3A = arith.constant 0 : i32
      %ne3A_67 = arith.cmpi ne, %rem3A, %ne3A : i32
      %lt3A = arith.constant 0 : i32
      %lt3A_68 = arith.cmpi slt, %rem3A, %lt3A : i32
      %lt3A_69 = arith.constant 0 : i32
      %lt3A_70 = arith.cmpi slt, %select_n3A, %lt3A_69 : i32
      %ne3A_71 = arith.xori %lt3A_68, %lt3A_70 : i1
      %and3A = arith.andi %ne3A_71, %ne3A_67 : i1
      %add3A_72 = arith.addi %rem3A, %select_n3A : i32
      %select_n3A_73 = arith.select %and3A, %add3A_72, %rem3A : i32
      %dma_wait3A_74 = arith.constant 0 : i32
      %dma_wait3A_75 = arith.constant 0 : i32
      %dma_wait3A_76 = arith.constant 0 : i32
      %dma_wait3A_77 = tpu.memref_slice %arg8[%select_n3A_73, %dma_wait3A_74, %dma_wait3A_75, %dma_wait3A_76] : memref<3x1x1024x16xf32, #tpu.memory_space<vmem>> -> memref<1x1x1024x16xf32, #tpu.memory_space<vmem>>
      %dma_wait3A_78 = tpu.memref_squeeze %dma_wait3A_77 : memref<1x1x1024x16xf32, #tpu.memory_space<vmem>> -> memref<1x1024x16xf32, #tpu.memory_space<vmem>>
      %dma_wait3A_79 = arith.constant 0 : i32
      %dma_wait3A_80 = arith.constant 0 : i32
      %dma_wait3A_81 = tpu.memref_slice %arg6[%dma_wait3A_79, %dma_wait3A_80] : memref<10x1024xi32, #tpu.memory_space<vmem>> -> memref<1x1024xi32, #tpu.memory_space<vmem>>
      %dma_wait3A_82 = arith.constant 0 : i32
      %dma_wait3A_83 = arith.constant 0 : i32
      %dma_wait3A_84 = arith.constant 0 : i32
      %dma_wait3A_85 = tpu.memref_slice %arg2[%dma_wait3A_82, %dma_wait3A_83, %dma_wait3A_84] : memref<1x10000x16xf32, #tpu.memory_space<hbm>> -> memref<1x10000x16xf32, #tpu.memory_space<hbm>>
      tpu.wait_indirect_dma semaphore(%arg10 : memref<!tpu.dma_semaphore, #tpu.memory_space<semaphore_mem>>) src(%dma_wait3A_85 : memref<1x10000x16xf32, #tpu.memory_space<hbm>>) dst(%dma_wait3A_78 : memref<1x1024x16xf32, #tpu.memory_space<vmem>>)
      %dma_start3A_86 = arith.constant 0 : i32
      %dma_start3A_87 = arith.constant 0 : i32
      %dma_start3A_88 = arith.constant 0 : i32
      %dma_start3A_89 = tpu.memref_slice %arg8[%select_n3A_73, %dma_start3A_86, %dma_start3A_87, %dma_start3A_88] : memref<3x1x1024x16xf32, #tpu.memory_space<vmem>> -> memref<1x1x1024x16xf32, #tpu.memory_space<vmem>>
      %dma_start3A_90 = tpu.memref_squeeze %dma_start3A_89 : memref<1x1x1024x16xf32, #tpu.memory_space<vmem>> -> memref<1x1024x16xf32, #tpu.memory_space<vmem>>
      %dma_start3A_91 = arith.constant 0 : i32
      %dma_start3A_92 = tpu.memref_slice %arg7[%scan3A_64, %dma_start3A_91] : memref<10x1024xi32, #tpu.memory_space<vmem>> -> memref<1x1024xi32, #tpu.memory_space<vmem>>
      %dma_start3A_93 = arith.constant 0 : i32
      %dma_start3A_94 = arith.constant 0 : i32
      %dma_start3A_95 = arith.constant 0 : i32
      %dma_start3A_96 = tpu.memref_slice %arg12[%dma_start3A_93, %dma_start3A_94, %dma_start3A_95] : memref<1x10240x16xf32, #tpu.memory_space<vmem_shared>> -> memref<1x10240x16xf32, #tpu.memory_space<vmem_shared>>
      tpu.enqueue_indirect_dma source(%dma_start3A_90 : memref<1x1024x16xf32, #tpu.memory_space<vmem>>) target(%dma_start3A_96 : memref<1x10240x16xf32, #tpu.memory_space<vmem_shared>>) offsets(%dma_start3A_92 : memref<1x1024xi32, #tpu.memory_space<vmem>>) semaphore(%arg11 : memref<!tpu.dma_semaphore, #tpu.memory_space<semaphore_mem>>) {add = true}
      %ge3A = arith.constant 1 : i32
      %ge3A_97 = arith.cmpi sge, %scan3A_64, %ge3A : i32
      %convert_element_type3A = arith.extui %ge3A_97 : i1 to i32
      %cond3A = arith.constant 0 : i32
      %cond3A_98 = arith.cmpi ne, %convert_element_type3A, %cond3A : i32
      scf.if %cond3A_98 {
        %dma_wait3A_107 = arith.constant 0 : i32
        %dma_wait3A_108 = arith.constant 0 : i32
        %dma_wait3A_109 = arith.constant 0 : i32
        %dma_wait3A_110 = tpu.memref_slice %arg8[%select_n3A_73, %dma_wait3A_107, %dma_wait3A_108, %dma_wait3A_109] : memref<3x1x1024x16xf32, #tpu.memory_space<vmem>> -> memref<1x1x1024x16xf32, #tpu.memory_space<vmem>>
        %dma_wait3A_111 = tpu.memref_squeeze %dma_wait3A_110 : memref<1x1x1024x16xf32, #tpu.memory_space<vmem>> -> memref<1x1024x16xf32, #tpu.memory_space<vmem>>
        %dma_wait3A_112 = arith.constant 0 : i32
        %dma_wait3A_113 = arith.constant 0 : i32
        %dma_wait3A_114 = tpu.memref_slice %arg7[%dma_wait3A_112, %dma_wait3A_113] : memref<10x1024xi32, #tpu.memory_space<vmem>> -> memref<1x1024xi32, #tpu.memory_space<vmem>>
        %dma_wait3A_115 = arith.constant 0 : i32
        %dma_wait3A_116 = arith.constant 0 : i32
        %dma_wait3A_117 = arith.constant 0 : i32
        %dma_wait3A_118 = tpu.memref_slice %arg12[%dma_wait3A_115, %dma_wait3A_116, %dma_wait3A_117] : memref<1x10240x16xf32, #tpu.memory_space<vmem_shared>> -> memref<1x10240x16xf32, #tpu.memory_space<vmem_shared>>
        tpu.wait_indirect_dma semaphore(%arg11 : memref<!tpu.dma_semaphore, #tpu.memory_space<semaphore_mem>>) src(%dma_wait3A_111 : memref<1x1024x16xf32, #tpu.memory_space<vmem>>) dst(%dma_wait3A_118 : memref<1x10240x16xf32, #tpu.memory_space<vmem_shared>>)
      } else {
      }
      %add3A_99 = arith.constant 3 : i32
      %add3A_100 = arith.addi %scan3A_64, %add3A_99 : i32
      %sub3A = arith.constant 1 : i32
      %sub3A_101 = arith.subi %add3A_100, %sub3A : i32
      %lt3A_102 = arith.constant 10 : i32
      %lt3A_103 = arith.cmpi slt, %sub3A_101, %lt3A_102 : i32
      %convert_element_type3A_104 = arith.extui %lt3A_103 : i1 to i32
      %cond3A_105 = arith.constant 0 : i32
      %cond3A_106 = arith.cmpi ne, %convert_element_type3A_104, %cond3A_105 : i32
      scf.if %cond3A_106 {
        %add3A_107 = arith.constant 3 : i32
        %add3A_108 = arith.addi %scan3A_64, %add3A_107 : i32
        %sub3A_109 = arith.constant 1 : i32
        %sub3A_110 = arith.subi %add3A_108, %sub3A_109 : i32
        %add3A_111 = arith.constant 3 : i32
        %add3A_112 = arith.addi %scan3A_64, %add3A_111 : i32
        %sub3A_113 = arith.constant 1 : i32
        %sub3A_114 = arith.subi %add3A_112, %sub3A_113 : i32
        %jit3A_115 = arith.constant 3 : i32
        %eq3A_116 = arith.constant 0 : i32
        %eq3A_117 = arith.cmpi eq, %jit3A_115, %eq3A_116 : i32
        %jit3A_118 = arith.constant 1 : i32
        %select_n3A_119 = arith.select %eq3A_117, %jit3A_118, %jit3A_115 : i32
        %rem3A_120 = arith.remsi %sub3A_114, %select_n3A_119 : i32
        %ne3A_121 = arith.constant 0 : i32
        %ne3A_122 = arith.cmpi ne, %rem3A_120, %ne3A_121 : i32
        %lt3A_123 = arith.constant 0 : i32
        %lt3A_124 = arith.cmpi slt, %rem3A_120, %lt3A_123 : i32
        %lt3A_125 = arith.constant 0 : i32
        %lt3A_126 = arith.cmpi slt, %select_n3A_119, %lt3A_125 : i32
        %ne3A_127 = arith.xori %lt3A_124, %lt3A_126 : i1
        %and3A_128 = arith.andi %ne3A_127, %ne3A_122 : i1
        %add3A_129 = arith.addi %rem3A_120, %select_n3A_119 : i32
        %select_n3A_130 = arith.select %and3A_128, %add3A_129, %rem3A_120 : i32
        %dma_start3A_131 = arith.constant 0 : i32
        %dma_start3A_132 = arith.constant 0 : i32
        %dma_start3A_133 = arith.constant 0 : i32
        %dma_start3A_134 = tpu.memref_slice %arg8[%select_n3A_130, %dma_start3A_131, %dma_start3A_132, %dma_start3A_133] : memref<3x1x1024x16xf32, #tpu.memory_space<vmem>> -> memref<1x1x1024x16xf32, #tpu.memory_space<vmem>>
        %dma_start3A_135 = tpu.memref_squeeze %dma_start3A_134 : memref<1x1x1024x16xf32, #tpu.memory_space<vmem>> -> memref<1x1024x16xf32, #tpu.memory_space<vmem>>
        %dma_start3A_136 = arith.constant 0 : i32
        %dma_start3A_137 = tpu.memref_slice %arg6[%sub3A_110, %dma_start3A_136] : memref<10x1024xi32, #tpu.memory_space<vmem>> -> memref<1x1024xi32, #tpu.memory_space<vmem>>
        %dma_start3A_138 = arith.constant 0 : i32
        %dma_start3A_139 = arith.constant 0 : i32
        %dma_start3A_140 = arith.constant 0 : i32
        %dma_start3A_141 = tpu.memref_slice %arg2[%dma_start3A_138, %dma_start3A_139, %dma_start3A_140] : memref<1x10000x16xf32, #tpu.memory_space<hbm>> -> memref<1x10000x16xf32, #tpu.memory_space<hbm>>
        tpu.enqueue_indirect_dma source(%dma_start3A_141 : memref<1x10000x16xf32, #tpu.memory_space<hbm>>) target(%dma_start3A_135 : memref<1x1024x16xf32, #tpu.memory_space<vmem>>) offsets(%dma_start3A_137 : memref<1x1024xi32, #tpu.memory_space<vmem>>) semaphore(%arg10 : memref<!tpu.dma_semaphore, #tpu.memory_space<semaphore_mem>>)
      } else {
      }
    }
    %scan3A_46 = arith.constant 10 : i32
    %dma_wait3A = arith.constant 0 : i32
    %dma_wait3A_47 = arith.constant 0 : i32
    %dma_wait3A_48 = arith.constant 0 : i32
    %dma_wait3A_49 = arith.constant 0 : i32
    %dma_wait3A_50 = tpu.memref_slice %arg8[%dma_wait3A, %dma_wait3A_47, %dma_wait3A_48, %dma_wait3A_49] : memref<3x1x1024x16xf32, #tpu.memory_space<vmem>> -> memref<1x1x1024x16xf32, #tpu.memory_space<vmem>>
    %dma_wait3A_51 = tpu.memref_squeeze %dma_wait3A_50 : memref<1x1x1024x16xf32, #tpu.memory_space<vmem>> -> memref<1x1024x16xf32, #tpu.memory_space<vmem>>
    %dma_wait3A_52 = arith.constant 0 : i32
    %dma_wait3A_53 = arith.constant 0 : i32
    %dma_wait3A_54 = tpu.memref_slice %arg7[%dma_wait3A_52, %dma_wait3A_53] : memref<10x1024xi32, #tpu.memory_space<vmem>> -> memref<1x1024xi32, #tpu.memory_space<vmem>>
    %dma_wait3A_55 = arith.constant 0 : i32
    %dma_wait3A_56 = arith.constant 0 : i32
    %dma_wait3A_57 = arith.constant 0 : i32
    %dma_wait3A_58 = tpu.memref_slice %arg12[%dma_wait3A_55, %dma_wait3A_56, %dma_wait3A_57] : memref<1x10240x16xf32, #tpu.memory_space<vmem_shared>> -> memref<1x10240x16xf32, #tpu.memory_space<vmem_shared>>
    tpu.wait_indirect_dma semaphore(%arg11 : memref<!tpu.dma_semaphore, #tpu.memory_space<semaphore_mem>>) src(%dma_wait3A_51 : memref<1x1024x16xf32, #tpu.memory_space<vmem>>) dst(%dma_wait3A_58 : memref<1x10240x16xf32, #tpu.memory_space<vmem_shared>>)
    %barrier3A_59 = arith.constant 0 : index
    tpu.barrier barrier_id(%barrier3A_59)
    %mul3A_60 = arith.constant 640 : i32
    %mul3A_61 = arith.muli %arg1, %mul3A_60 : i32
    %mul3A_62 = arith.constant 640 : i32
    %mul3A_63 = arith.muli %arg1, %mul3A_62 : i32
    "tpu.region"() ({
      %run_scoped3A = tpu.sem_alloc : memref<!tpu.dma_semaphore, #tpu.memory_space<semaphore_mem>>
      %dma_start3A_64 = arith.constant 0 : i32
      %dma_start3A_65 = arith.constant 0 : i32
      %dma_start3A_66 = tpu.memref_slice %arg5[%arg0, %dma_start3A_64, %mul3A_63, %dma_start3A_65] : memref<2x1x10240x16xf32, #tpu.memory_space<hbm>> -> memref<1x1x640x16xf32, #tpu.memory_space<hbm>>
      %dma_start3A_67 = tpu.memref_squeeze %dma_start3A_66 : memref<1x1x640x16xf32, #tpu.memory_space<hbm>> -> memref<1x640x16xf32, #tpu.memory_space<hbm>>
      %dma_start3A_68 = arith.constant 0 : i32
      %dma_start3A_69 = arith.constant 0 : i32
      %dma_start3A_70 = tpu.memref_slice %arg12[%dma_start3A_68, %mul3A_61, %dma_start3A_69] : memref<1x10240x16xf32, #tpu.memory_space<vmem_shared>> -> memref<1x640x16xf32, #tpu.memory_space<vmem_shared>>
      tpu.enqueue_dma source(%dma_start3A_70 : memref<1x640x16xf32, #tpu.memory_space<vmem_shared>>) target(%dma_start3A_67 : memref<1x640x16xf32, #tpu.memory_space<hbm>>) target_semaphore(%run_scoped3A : memref<!tpu.dma_semaphore, #tpu.memory_space<semaphore_mem>>)
      %dma_wait3A_71 = arith.constant 0 : i32
      %dma_wait3A_72 = arith.constant 0 : i32
      %dma_wait3A_73 = tpu.memref_slice %arg5[%arg0, %dma_wait3A_71, %mul3A_63, %dma_wait3A_72] : memref<2x1x10240x16xf32, #tpu.memory_space<hbm>> -> memref<1x1x640x16xf32, #tpu.memory_space<hbm>>
      %dma_wait3A_74 = tpu.memref_squeeze %dma_wait3A_73 : memref<1x1x640x16xf32, #tpu.memory_space<hbm>> -> memref<1x640x16xf32, #tpu.memory_space<hbm>>
      %dma_wait3A_75 = arith.constant 0 : i32
      %dma_wait3A_76 = arith.constant 0 : i32
      %dma_wait3A_77 = tpu.memref_slice %arg12[%dma_wait3A_75, %mul3A_61, %dma_wait3A_76] : memref<1x10240x16xf32, #tpu.memory_space<vmem_shared>> -> memref<1x640x16xf32, #tpu.memory_space<vmem_shared>>
      tpu.wait_dma2 semaphore(%run_scoped3A : memref<!tpu.dma_semaphore, #tpu.memory_space<semaphore_mem>>) src(%dma_wait3A_77 : memref<1x640x16xf32, #tpu.memory_space<vmem_shared>>) dst(%dma_wait3A_74 : memref<1x640x16xf32, #tpu.memory_space<hbm>>)
      tpu.yield
    }) : () -> ()
    return
  }
}

module attributes {stable_mosaic.version = 14 : i64} {
  func.func @_tc1_body(%arg0: memref<1250x1024xf32, #tpu.memory_space<vmem>>, %arg1: memref<1024x128xf32, #tpu.memory_space<vmem>>, %arg2: memref<1250x128xf32, #tpu.memory_space<vmem>>) attributes {dimension_semantics = [], scalar_prefetch = 0 : i64, scratch_operands = 0 : i64, tpu.core_type = #tpu.core_type<tc>} {
    %get3A = arith.constant 0 : index
    %get3A_0 = arith.constant 0 : index
    %get3A_1 = vector.load %arg0[%get3A, %get3A_0] : memref<1250x1024xf32, #tpu.memory_space<vmem>>, vector<1250x1024xf32>
    %get3A_2 = arith.constant 0 : index
    %get3A_3 = arith.constant 0 : index
    %get3A_4 = vector.load %arg1[%get3A_2, %get3A_3] : memref<1024x128xf32, #tpu.memory_space<vmem>>, vector<1024x128xf32>
    %dot_general3A = arith.constant dense<0.000000e+00> : vector<1250x128xf32>
    %dot_general3A_5 = tpu.matmul %get3A_1, %get3A_4, %dot_general3A {dimension_numbers = #tpu.dot_dimension_numbers<[1], [0], [0], [1], [0, 0, 1, 1], [], []>, precision = #tpu.contract_precision<fp32>, transpose_lhs_hint = false} : vector<1250x1024xf32>, vector<1024x128xf32>, vector<1250x128xf32> -> vector<1250x128xf32>
    %swap3A = arith.constant 0 : index
    %swap3A_6 = arith.constant 0 : index
    %swap3A_7 = vector.load %arg2[%swap3A, %swap3A_6] : memref<1250x128xf32, #tpu.memory_space<vmem>>, vector<1250x128xf32>
    tpu.vector_store %arg2[%swap3A, %swap3A_6], %dot_general3A_5 {strides = array<i32>} : memref<1250x128xf32, #tpu.memory_space<vmem>>, vector<1250x128xf32>,
    return
  }
}

module attributes {stable_mosaic.version = 14 : i64} {
  func.func @_tc2_body(%arg0: memref<1250x128xf32, #tpu.memory_space<vmem>>, %arg1: memref<2x1280x128xf32, #tpu.memory_space<vmem>>, %arg2: memref<128x128xf32, #tpu.memory_space<vmem>>, %arg3: memref<1x128xf32, #tpu.memory_space<vmem>>, %arg4: memref<1x128xf32, #tpu.memory_space<vmem>>, %arg5: memref<128x128xf32, #tpu.memory_space<vmem>>, %arg6: memref<1250x128xf32, #tpu.memory_space<vmem>>) attributes {dimension_semantics = [], scalar_prefetch = 0 : i64, scratch_operands = 0 : i64, tpu.core_type = #tpu.core_type<tc>} {
    %get3A = arith.constant 0 : index
    %get3A_0 = arith.constant 0 : index
    %get3A_1 = arith.constant 0 : index
    %get3A_2 = vector.load %arg1[%get3A, %get3A_0, %get3A_1] : memref<2x1280x128xf32, #tpu.memory_space<vmem>>, vector<1x1250x128xf32>
    %get3A_3 = vector.shape_cast %get3A_2 : vector<1x1250x128xf32> to vector<1250x128xf32>
    %get3A_4 = arith.constant 1 : index
    %get3A_5 = arith.constant 0 : index
    %get3A_6 = arith.constant 0 : index
    %get3A_7 = vector.load %arg1[%get3A_4, %get3A_5, %get3A_6] : memref<2x1280x128xf32, #tpu.memory_space<vmem>>, vector<1x1250x128xf32>
    %get3A_8 = vector.shape_cast %get3A_7 : vector<1x1250x128xf32> to vector<1250x128xf32>
    %add3A = arith.addf %get3A_3, %get3A_8 : vector<1250x128xf32>
    %get3A_9 = arith.constant 0 : index
    %get3A_10 = arith.constant 0 : index
    %get3A_11 = vector.load %arg0[%get3A_9, %get3A_10] : memref<1250x128xf32, #tpu.memory_space<vmem>>, vector<1250x128xf32>
    %add3A_12 = arith.addf %get3A_11, %add3A : vector<1250x128xf32>
    %get3A_13 = arith.constant 0 : index
    %get3A_14 = arith.constant 0 : index
    %get3A_15 = vector.load %arg3[%get3A_13, %get3A_14] : memref<1x128xf32, #tpu.memory_space<vmem>>, vector<1x128xf32>
    %add3A_16 = vector.broadcast %get3A_15 : vector<1x128xf32> to vector<1250x128xf32>
    %add3A_17 = arith.addf %add3A_12, %add3A_16 : vector<1250x128xf32>
    %max3A = arith.constant 0.000000e+00 : f32
    %max3A_18 = vector.broadcast %max3A : f32 to vector<1250x128xf32>
    %max3A_19 = arith.maximumf %add3A_17, %max3A_18 : vector<1250x128xf32>
    %get3A_20 = arith.constant 0 : index
    %get3A_21 = arith.constant 0 : index
    %get3A_22 = vector.load %arg2[%get3A_20, %get3A_21] : memref<128x128xf32, #tpu.memory_space<vmem>>, vector<128x128xf32>
    %dot_general3A = arith.constant dense<0.000000e+00> : vector<1250x128xf32>
    %dot_general3A_23 = tpu.matmul %max3A_19, %get3A_22, %dot_general3A {dimension_numbers = #tpu.dot_dimension_numbers<[1], [0], [0], [1], [0, 0, 1, 1], [], []>, precision = #tpu.contract_precision<fp32>, transpose_lhs_hint = false} : vector<1250x128xf32>, vector<128x128xf32>, vector<1250x128xf32> -> vector<1250x128xf32>
    %get3A_24 = arith.constant 0 : index
    %get3A_25 = arith.constant 0 : index
    %get3A_26 = vector.load %arg4[%get3A_24, %get3A_25] : memref<1x128xf32, #tpu.memory_space<vmem>>, vector<1x128xf32>
    %add3A_27 = vector.broadcast %get3A_26 : vector<1x128xf32> to vector<1250x128xf32>
    %add3A_28 = arith.addf %dot_general3A_23, %add3A_27 : vector<1250x128xf32>
    %max3A_29 = arith.constant 0.000000e+00 : f32
    %max3A_30 = vector.broadcast %max3A_29 : f32 to vector<1250x128xf32>
    %max3A_31 = arith.maximumf %add3A_28, %max3A_30 : vector<1250x128xf32>
    %get3A_32 = arith.constant 0 : index
    %get3A_33 = arith.constant 0 : index
    %get3A_34 = vector.load %arg5[%get3A_32, %get3A_33] : memref<128x128xf32, #tpu.memory_space<vmem>>, vector<128x128xf32>
    %dot_general3A_35 = arith.constant dense<0.000000e+00> : vector<1250x128xf32>
    %dot_general3A_36 = tpu.matmul %max3A_31, %get3A_34, %dot_general3A_35 {dimension_numbers = #tpu.dot_dimension_numbers<[1], [0], [0], [1], [0, 0, 1, 1], [], []>, precision = #tpu.contract_precision<fp32>, transpose_lhs_hint = false} : vector<1250x128xf32>, vector<128x128xf32>, vector<1250x128xf32> -> vector<1250x128xf32>
    %swap3A = arith.constant 0 : index
    %swap3A_37 = arith.constant 0 : index
    %swap3A_38 = vector.load %arg6[%swap3A, %swap3A_37] : memref<1250x128xf32, #tpu.memory_space<vmem>>, vector<1250x128xf32>
    tpu.vector_store %arg6[%swap3A, %swap3A_37], %dot_general3A_36 {strides = array<i32>} : memref<1250x128xf32, #tpu.memory_space<vmem>>, vector<1250x128xf32>,
    return
  }
}

module attributes {stable_mosaic.version = 14 : i64} {
  func.func @_tc3_body(%arg0: memref<1250x128xf32, #tpu.memory_space<vmem>>, %arg1: memref<2x1280x128xf32, #tpu.memory_space<vmem>>, %arg2: memref<128x1024xf32, #tpu.memory_space<vmem>>, %arg3: memref<1x128xf32, #tpu.memory_space<vmem>>, %arg4: memref<1x1024xf32, #tpu.memory_space<vmem>>, %arg5: memref<1250x1024xf32, #tpu.memory_space<vmem>>) attributes {dimension_semantics = [], scalar_prefetch = 0 : i64, scratch_operands = 0 : i64, tpu.core_type = #tpu.core_type<tc>} {
    %get3A = arith.constant 0 : index
    %get3A_0 = arith.constant 0 : index
    %get3A_1 = arith.constant 0 : index
    %get3A_2 = vector.load %arg1[%get3A, %get3A_0, %get3A_1] : memref<2x1280x128xf32, #tpu.memory_space<vmem>>, vector<1x1250x128xf32>
    %get3A_3 = vector.shape_cast %get3A_2 : vector<1x1250x128xf32> to vector<1250x128xf32>
    %get3A_4 = arith.constant 1 : index
    %get3A_5 = arith.constant 0 : index
    %get3A_6 = arith.constant 0 : index
    %get3A_7 = vector.load %arg1[%get3A_4, %get3A_5, %get3A_6] : memref<2x1280x128xf32, #tpu.memory_space<vmem>>, vector<1x1250x128xf32>
    %get3A_8 = vector.shape_cast %get3A_7 : vector<1x1250x128xf32> to vector<1250x128xf32>
    %add3A = arith.addf %get3A_3, %get3A_8 : vector<1250x128xf32>
    %get3A_9 = arith.constant 0 : index
    %get3A_10 = arith.constant 0 : index
    %get3A_11 = vector.load %arg0[%get3A_9, %get3A_10] : memref<1250x128xf32, #tpu.memory_space<vmem>>, vector<1250x128xf32>
    %add3A_12 = arith.addf %get3A_11, %add3A : vector<1250x128xf32>
    %get3A_13 = arith.constant 0 : index
    %get3A_14 = arith.constant 0 : index
    %get3A_15 = vector.load %arg3[%get3A_13, %get3A_14] : memref<1x128xf32, #tpu.memory_space<vmem>>, vector<1x128xf32>
    %add3A_16 = vector.broadcast %get3A_15 : vector<1x128xf32> to vector<1250x128xf32>
    %add3A_17 = arith.addf %add3A_12, %add3A_16 : vector<1250x128xf32>
    %max3A = arith.constant 0.000000e+00 : f32
    %max3A_18 = vector.broadcast %max3A : f32 to vector<1250x128xf32>
    %max3A_19 = arith.maximumf %add3A_17, %max3A_18 : vector<1250x128xf32>
    %get3A_20 = arith.constant 0 : index
    %get3A_21 = arith.constant 0 : index
    %get3A_22 = vector.load %arg2[%get3A_20, %get3A_21] : memref<128x1024xf32, #tpu.memory_space<vmem>>, vector<128x1024xf32>
    %dot_general3A = arith.constant dense<0.000000e+00> : vector<1250x1024xf32>
    %dot_general3A_23 = tpu.matmul %max3A_19, %get3A_22, %dot_general3A {dimension_numbers = #tpu.dot_dimension_numbers<[1], [0], [0], [1], [0, 0, 1, 1], [], []>, precision = #tpu.contract_precision<fp32>, transpose_lhs_hint = false} : vector<1250x128xf32>, vector<128x1024xf32>, vector<1250x1024xf32> -> vector<1250x1024xf32>
    %get3A_24 = arith.constant 0 : index
    %get3A_25 = arith.constant 0 : index
    %get3A_26 = vector.load %arg4[%get3A_24, %get3A_25] : memref<1x1024xf32, #tpu.memory_space<vmem>>, vector<1x1024xf32>
    %add3A_27 = vector.broadcast %get3A_26 : vector<1x1024xf32> to vector<1250x1024xf32>
    %add3A_28 = arith.addf %dot_general3A_23, %add3A_27 : vector<1250x1024xf32>
    %slice3A = vector.extract_strided_slice %add3A_28 {offsets = [0, 0], sizes = [1250, 128], strides = [1, 1]} : vector<1250x1024xf32> to vector<1250x128xf32>
    %reduce_max3A = arith.constant dense<0xFF800000> : vector<1250xf32>
    %reduce_max3A_29 = vector.multi_reduction <maximumf>, %slice3A, %reduce_max3A [1] : vector<1250x128xf32> to vector<1250xf32>
    %broadcast_in_dim3A = vector.shape_cast %reduce_max3A_29 : vector<1250xf32> to vector<1250x1xf32>
    %sub3A = vector.broadcast %broadcast_in_dim3A : vector<1250x1xf32> to vector<1250x128xf32>
    %sub3A_30 = arith.subf %slice3A, %sub3A : vector<1250x128xf32>
    %exp3A = math.exp %sub3A_30 : vector<1250x128xf32>
    %reduce_sum3A = arith.constant dense<0.000000e+00> : vector<1250xf32>
    %reduce_sum3A_31 = vector.multi_reduction <add>, %exp3A, %reduce_sum3A [1] : vector<1250x128xf32> to vector<1250xf32>
    %broadcast_in_dim3A_32 = vector.shape_cast %reduce_sum3A_31 : vector<1250xf32> to vector<1250x1xf32>
    %log3A = math.log %broadcast_in_dim3A_32 : vector<1250x1xf32>
    %add3A_33 = arith.addf %log3A, %broadcast_in_dim3A : vector<1250x1xf32>
    %sub3A_34 = vector.broadcast %add3A_33 : vector<1250x1xf32> to vector<1250x128xf32>
    %sub3A_35 = arith.subf %slice3A, %sub3A_34 : vector<1250x128xf32>
    %slice3A_36 = vector.extract_strided_slice %add3A_28 {offsets = [0, 128], sizes = [1250, 128], strides = [1, 1]} : vector<1250x1024xf32> to vector<1250x128xf32>
    %reduce_max3A_37 = arith.constant dense<0xFF800000> : vector<1250xf32>
    %reduce_max3A_38 = vector.multi_reduction <maximumf>, %slice3A_36, %reduce_max3A_37 [1] : vector<1250x128xf32> to vector<1250xf32>
    %broadcast_in_dim3A_39 = vector.shape_cast %reduce_max3A_38 : vector<1250xf32> to vector<1250x1xf32>
    %sub3A_40 = vector.broadcast %broadcast_in_dim3A_39 : vector<1250x1xf32> to vector<1250x128xf32>
    %sub3A_41 = arith.subf %slice3A_36, %sub3A_40 : vector<1250x128xf32>
    %exp3A_42 = math.exp %sub3A_41 : vector<1250x128xf32>
    %reduce_sum3A_43 = arith.constant dense<0.000000e+00> : vector<1250xf32>
    %reduce_sum3A_44 = vector.multi_reduction <add>, %exp3A_42, %reduce_sum3A_43 [1] : vector<1250x128xf32> to vector<1250xf32>
    %broadcast_in_dim3A_45 = vector.shape_cast %reduce_sum3A_44 : vector<1250xf32> to vector<1250x1xf32>
    %log3A_46 = math.log %broadcast_in_dim3A_45 : vector<1250x1xf32>
    %add3A_47 = arith.addf %log3A_46, %broadcast_in_dim3A_39 : vector<1250x1xf32>
    %sub3A_48 = vector.broadcast %add3A_47 : vector<1250x1xf32> to vector<1250x128xf32>
    %sub3A_49 = arith.subf %slice3A_36, %sub3A_48 : vector<1250x128xf32>
    %slice3A_50 = vector.extract_strided_slice %add3A_28 {offsets = [0, 256], sizes = [1250, 128], strides = [1, 1]} : vector<1250x1024xf32> to vector<1250x128xf32>
    %reduce_max3A_51 = arith.constant dense<0xFF800000> : vector<1250xf32>
    %reduce_max3A_52 = vector.multi_reduction <maximumf>, %slice3A_50, %reduce_max3A_51 [1] : vector<1250x128xf32> to vector<1250xf32>
    %broadcast_in_dim3A_53 = vector.shape_cast %reduce_max3A_52 : vector<1250xf32> to vector<1250x1xf32>
    %sub3A_54 = vector.broadcast %broadcast_in_dim3A_53 : vector<1250x1xf32> to vector<1250x128xf32>
    %sub3A_55 = arith.subf %slice3A_50, %sub3A_54 : vector<1250x128xf32>
    %exp3A_56 = math.exp %sub3A_55 : vector<1250x128xf32>
    %reduce_sum3A_57 = arith.constant dense<0.000000e+00> : vector<1250xf32>
    %reduce_sum3A_58 = vector.multi_reduction <add>, %exp3A_56, %reduce_sum3A_57 [1] : vector<1250x128xf32> to vector<1250xf32>
    %broadcast_in_dim3A_59 = vector.shape_cast %reduce_sum3A_58 : vector<1250xf32> to vector<1250x1xf32>
    %log3A_60 = math.log %broadcast_in_dim3A_59 : vector<1250x1xf32>
    %add3A_61 = arith.addf %log3A_60, %broadcast_in_dim3A_53 : vector<1250x1xf32>
    %sub3A_62 = vector.broadcast %add3A_61 : vector<1250x1xf32> to vector<1250x128xf32>
    %sub3A_63 = arith.subf %slice3A_50, %sub3A_62 : vector<1250x128xf32>
    %slice3A_64 = vector.extract_strided_slice %add3A_28 {offsets = [0, 384], sizes = [1250, 128], strides = [1, 1]} : vector<1250x1024xf32> to vector<1250x128xf32>
    %reduce_max3A_65 = arith.constant dense<0xFF800000> : vector<1250xf32>
    %reduce_max3A_66 = vector.multi_reduction <maximumf>, %slice3A_64, %reduce_max3A_65 [1] : vector<1250x128xf32> to vector<1250xf32>
    %broadcast_in_dim3A_67 = vector.shape_cast %reduce_max3A_66 : vector<1250xf32> to vector<1250x1xf32>
    %sub3A_68 = vector.broadcast %broadcast_in_dim3A_67 : vector<1250x1xf32> to vector<1250x128xf32>
    %sub3A_69 = arith.subf %slice3A_64, %sub3A_68 : vector<1250x128xf32>
    %exp3A_70 = math.exp %sub3A_69 : vector<1250x128xf32>
    %reduce_sum3A_71 = arith.constant dense<0.000000e+00> : vector<1250xf32>
    %reduce_sum3A_72 = vector.multi_reduction <add>, %exp3A_70, %reduce_sum3A_71 [1] : vector<1250x128xf32> to vector<1250xf32>
    %broadcast_in_dim3A_73 = vector.shape_cast %reduce_sum3A_72 : vector<1250xf32> to vector<1250x1xf32>
    %log3A_74 = math.log %broadcast_in_dim3A_73 : vector<1250x1xf32>
    %add3A_75 = arith.addf %log3A_74, %broadcast_in_dim3A_67 : vector<1250x1xf32>
    %sub3A_76 = vector.broadcast %add3A_75 : vector<1250x1xf32> to vector<1250x128xf32>
    %sub3A_77 = arith.subf %slice3A_64, %sub3A_76 : vector<1250x128xf32>
    %slice3A_78 = vector.extract_strided_slice %add3A_28 {offsets = [0, 512], sizes = [1250, 128], strides = [1, 1]} : vector<1250x1024xf32> to vector<1250x128xf32>
    %reduce_max3A_79 = arith.constant dense<0xFF800000> : vector<1250xf32>
    %reduce_max3A_80 = vector.multi_reduction <maximumf>, %slice3A_78, %reduce_max3A_79 [1] : vector<1250x128xf32> to vector<1250xf32>
    %broadcast_in_dim3A_81 = vector.shape_cast %reduce_max3A_80 : vector<1250xf32> to vector<1250x1xf32>
    %sub3A_82 = vector.broadcast %broadcast_in_dim3A_81 : vector<1250x1xf32> to vector<1250x128xf32>
    %sub3A_83 = arith.subf %slice3A_78, %sub3A_82 : vector<1250x128xf32>
    %exp3A_84 = math.exp %sub3A_83 : vector<1250x128xf32>
    %reduce_sum3A_85 = arith.constant dense<0.000000e+00> : vector<1250xf32>
    %reduce_sum3A_86 = vector.multi_reduction <add>, %exp3A_84, %reduce_sum3A_85 [1] : vector<1250x128xf32> to vector<1250xf32>
    %broadcast_in_dim3A_87 = vector.shape_cast %reduce_sum3A_86 : vector<1250xf32> to vector<1250x1xf32>
    %log3A_88 = math.log %broadcast_in_dim3A_87 : vector<1250x1xf32>
    %add3A_89 = arith.addf %log3A_88, %broadcast_in_dim3A_81 : vector<1250x1xf32>
    %sub3A_90 = vector.broadcast %add3A_89 : vector<1250x1xf32> to vector<1250x128xf32>
    %sub3A_91 = arith.subf %slice3A_78, %sub3A_90 : vector<1250x128xf32>
    %slice3A_92 = vector.extract_strided_slice %add3A_28 {offsets = [0, 640], sizes = [1250, 128], strides = [1, 1]} : vector<1250x1024xf32> to vector<1250x128xf32>
    %reduce_max3A_93 = arith.constant dense<0xFF800000> : vector<1250xf32>
    %reduce_max3A_94 = vector.multi_reduction <maximumf>, %slice3A_92, %reduce_max3A_93 [1] : vector<1250x128xf32> to vector<1250xf32>
    %broadcast_in_dim3A_95 = vector.shape_cast %reduce_max3A_94 : vector<1250xf32> to vector<1250x1xf32>
    %sub3A_96 = vector.broadcast %broadcast_in_dim3A_95 : vector<1250x1xf32> to vector<1250x128xf32>
    %sub3A_97 = arith.subf %slice3A_92, %sub3A_96 : vector<1250x128xf32>
    %exp3A_98 = math.exp %sub3A_97 : vector<1250x128xf32>
    %reduce_sum3A_99 = arith.constant dense<0.000000e+00> : vector<1250xf32>
    %reduce_sum3A_100 = vector.multi_reduction <add>, %exp3A_98, %reduce_sum3A_99 [1] : vector<1250x128xf32> to vector<1250xf32>
    %broadcast_in_dim3A_101 = vector.shape_cast %reduce_sum3A_100 : vector<1250xf32> to vector<1250x1xf32>
    %log3A_102 = math.log %broadcast_in_dim3A_101 : vector<1250x1xf32>
    %add3A_103 = arith.addf %log3A_102, %broadcast_in_dim3A_95 : vector<1250x1xf32>
    %sub3A_104 = vector.broadcast %add3A_103 : vector<1250x1xf32> to vector<1250x128xf32>
    %sub3A_105 = arith.subf %slice3A_92, %sub3A_104 : vector<1250x128xf32>
    %slice3A_106 = vector.extract_strided_slice %add3A_28 {offsets = [0, 768], sizes = [1250, 128], strides = [1, 1]} : vector<1250x1024xf32> to vector<1250x128xf32>
    %reduce_max3A_107 = arith.constant dense<0xFF800000> : vector<1250xf32>
    %reduce_max3A_108 = vector.multi_reduction <maximumf>, %slice3A_106, %reduce_max3A_107 [1] : vector<1250x128xf32> to vector<1250xf32>
    %broadcast_in_dim3A_109 = vector.shape_cast %reduce_max3A_108 : vector<1250xf32> to vector<1250x1xf32>
    %sub3A_110 = vector.broadcast %broadcast_in_dim3A_109 : vector<1250x1xf32> to vector<1250x128xf32>
    %sub3A_111 = arith.subf %slice3A_106, %sub3A_110 : vector<1250x128xf32>
    %exp3A_112 = math.exp %sub3A_111 : vector<1250x128xf32>
    %reduce_sum3A_113 = arith.constant dense<0.000000e+00> : vector<1250xf32>
    %reduce_sum3A_114 = vector.multi_reduction <add>, %exp3A_112, %reduce_sum3A_113 [1] : vector<1250x128xf32> to vector<1250xf32>
    %broadcast_in_dim3A_115 = vector.shape_cast %reduce_sum3A_114 : vector<1250xf32> to vector<1250x1xf32>
    %log3A_116 = math.log %broadcast_in_dim3A_115 : vector<1250x1xf32>
    %add3A_117 = arith.addf %log3A_116, %broadcast_in_dim3A_109 : vector<1250x1xf32>
    %sub3A_118 = vector.broadcast %add3A_117 : vector<1250x1xf32> to vector<1250x128xf32>
    %sub3A_119 = arith.subf %slice3A_106, %sub3A_118 : vector<1250x128xf32>
    %slice3A_120 = vector.extract_strided_slice %add3A_28 {offsets = [0, 896], sizes = [1250, 128], strides = [1, 1]} : vector<1250x1024xf32> to vector<1250x128xf32>
    %reduce_max3A_121 = arith.constant dense<0xFF800000> : vector<1250xf32>
    %reduce_max3A_122 = vector.multi_reduction <maximumf>, %slice3A_120, %reduce_max3A_121 [1] : vector<1250x128xf32> to vector<1250xf32>
    %broadcast_in_dim3A_123 = vector.shape_cast %reduce_max3A_122 : vector<1250xf32> to vector<1250x1xf32>
    %sub3A_124 = vector.broadcast %broadcast_in_dim3A_123 : vector<1250x1xf32> to vector<1250x128xf32>
    %sub3A_125 = arith.subf %slice3A_120, %sub3A_124 : vector<1250x128xf32>
    %exp3A_126 = math.exp %sub3A_125 : vector<1250x128xf32>
    %reduce_sum3A_127 = arith.constant dense<0.000000e+00> : vector<1250xf32>
    %reduce_sum3A_128 = vector.multi_reduction <add>, %exp3A_126, %reduce_sum3A_127 [1] : vector<1250x128xf32> to vector<1250xf32>
    %broadcast_in_dim3A_129 = vector.shape_cast %reduce_sum3A_128 : vector<1250xf32> to vector<1250x1xf32>
    %log3A_130 = math.log %broadcast_in_dim3A_129 : vector<1250x1xf32>
    %add3A_131 = arith.addf %log3A_130, %broadcast_in_dim3A_123 : vector<1250x1xf32>
    %sub3A_132 = vector.broadcast %add3A_131 : vector<1250x1xf32> to vector<1250x128xf32>
    %sub3A_133 = arith.subf %slice3A_120, %sub3A_132 : vector<1250x128xf32>
    %concatenate3A = tpu.concatenate %sub3A_35, %sub3A_49, %sub3A_63, %sub3A_77, %sub3A_91, %sub3A_105, %sub3A_119, %sub3A_133 in 1 : vector<1250x128xf32>, vector<1250x128xf32>, vector<1250x128xf32>, vector<1250x128xf32>, vector<1250x128xf32>, vector<1250x128xf32>, vector<1250x128xf32>, vector<1250x128xf32> -> vector<1250x1024xf32>
    %swap3A = arith.constant 0 : index
    %swap3A_134 = arith.constant 0 : index
    %swap3A_135 = vector.load %arg5[%swap3A, %swap3A_134] : memref<1250x1024xf32, #tpu.memory_space<vmem>>, vector<1250x1024xf32>
    tpu.vector_store %arg5[%swap3A, %swap3A_134], %concatenate3A {strides = array<i32>} : memref<1250x1024xf32, #tpu.memory_space<vmem>>, vector<1250x1024xf32>,
    return
  }
}

</mosaic_0001>

<sc_bundles>
// kernel: kernel.10.cloned.1.call-start
scs
__scs_entry_jumppad:
0x0: {  	(pc) =	sbr.rel $0x88, $3  }
0x1: {  	(tag) =	ssettag $0x0;
	lr =	simm.s32 $0x1  }
0x2: {  	[smem:$0x3F97] =	sst lr;
	_ =	strace $0xD0000000  }
0x3: {  	_ = 	snop  }
0x4: {  	_ = 	snop  }
0x5: {  	_ = 	snop  }
0x6: {  	_ = 	snop  }
0x7: {  	_ = 	snop  }
__scs_overlays_trampoline_lowered:
0x8: {  	[smem:$0x3FA6] =	sst s0  }
0x9: {  	[smem:$0x3FA7] =	sst s1  }
0xa: {  	[smem:$0x3FA8] =	sst s2  }
0xb: {  	[smem:$0x3FA9] =	sst s3  }
0xc: {  	[smem:$0x3FAA] =	sst s4  }
0xd: {  	[smem:$0x3FAB] =	sst s5  }
0xe: {  	[smem:$0x3FAC] =	sst s6  }
0xf: {  	[smem:$0x3FAD] =	sst s7  }
0x10: {  	[smem:$0x3FAE] =	sst s8  }
0x11: {  	[smem:$0x3FAF] =	sst s9;
	s0 =	simm.s32 @!p0 $0x0  }
0x12: {  	s1 =	sld [smem:$0x3F95];
	s0 =	simm.s32 @p0 $0x1  }
0x13: {  	[smem:$0x3FB0] =	sst s0;
	s0 =	simm.s32 @!p1 $0x0  }
0x14: {  	s2 =	sld [smem:$0x3F94];
	s0 =	simm.s32 @p1 $0x1  }
0x15: {  	[smem:$0x3FB1] =	sst s0;
	s0 =	simm.s32 @!p2 $0x0  }
0x16: {  	s3 =	sld [smem:$0x3FDB];
	s0 =	simm.s32 @p2 $0x1  }
0x17: {  	s4 =	simm.s32 $0x1BF5;
	[smem:$0x3FB3] =	sst s0  }
0x18: {  	s0 =	sld [smem:$0x3F96];
	_ =	swait.ge [sflag:s4], $0x0  }
0x19: {  	s7 =	sld [smem:$0x3F97]  }
0x1a: {  	s8 =	sadd.s32 $0xFFFFE003, lr  }
0x1b: {  	s9 =	sadd.s32 $0xFFFFFEF7, lr;
	s5 =	simm.s32 $0xFFFFFFFF;
	p2 =	slt.u32 s8, $0xFFFFF086  }
0x1c: {  	p1 =	slt.u32 s9, $0xF7A;
	s5 =	simm.s32 @!p2 $0x0  }
0x1d: {  	s5 =	simm.s32 @p1 $0x1;
	p0 =	seq.s32 s7, s2  }
0x1e: {  	s7 =	smul.u32 @!p0 $0xF7A, s2;
	p2 =	seq.s32 @!p0 s5, $0x0  }
0x1f: {  	s9 =	smul.u32 $0xF7A, s1;
	s8 =	simm.s32 @!p0 $0x1BF5;
	p2 =	por !p2, p0  }
0x20: {  	[sflag:s8] =	ssyncset.s32 @!p0 $0xFFFFF086;
	s6 =	sadd.s32 @!p0 s3, s7;
	s7 =	simm.s32 @!p0 $0x108  }
0x21: {  	s3 =	sadd.s32 s3, s9;
	s6 =	sadd.s32 @!p0 $0x88, s6;
	s7 =	simm.s32 @p2 $0x1082  }
0x22: {  	[simem:s7], [sflag:s8] =	dma.local @!p0 [hbm:s6], $0xF7A  }
0x23: {  	s9 =	sor.u32 $0xD0000000, s2;
	s6 =	simm.s32 $0x108;
	_ =	swait.ge @!p0 [sflag:s8], $0x0  }
0x24: {  	s3 =	sadd.s32 $0x88, s3;
	s6 =	simm.s32 @!p1 $0x1082;
	[sflag:s4] =	ssyncset.s32 $0xFFFFF086  }
0x25: {  	[simem:s6], [sflag:s4] =	dma.local [hbm:s3], $0xF7A  }
0x26: {  	[smem:$0x3F97] =	sst s1;
	(tag) =	ssettag s2;
	_ =	strace s9  }
0x27: {  	s1 =	sld [smem:$0x3FA7]  }
0x28: {  	s2 =	sld [smem:$0x3FA8]  }
0x29: {  	s4 =	sld [smem:$0x3FAA]  }
0x2a: {  	p0 =	seq.s32 s5, $0x0;
	s5 =	sld [smem:$0x3FAB]  }
0x2b: {  	s6 =	sld [smem:$0x3FAC]  }
0x2c: {  	s7 =	sld [smem:$0x3FAD]  }
0x2d: {  	s3 =	simm.s32 $0x108;
	s8 =	sld [smem:$0x3FAE]  }
0x2e: {  	s3 =	simm.s32 @!p0 $0x1082;
	s9 =	sld [smem:$0x3FAF]  }
0x2f: {  	lr =	sadd.s32 s0, s3;
	s0 =	sld [smem:$0x3FA6]  }
0x30: {  	s3 =	sld [smem:$0x3FA9]  }
0x31: {  	[smem:$0x3FB2] =	sst s10  }
0x32: {  	s10 =	sld [smem:$0x3FB0];
	_ =	sdelay $0x3  }
0x33: {  	p0 =	seq.s32 s10, $0x1;
	s10 =	sld [smem:$0x3FB2];
	_ =	sdelay $0x3  }
0x34: {  	[smem:$0x3FB2] =	sst s10  }
0x35: {  	s10 =	sld [smem:$0x3FB1];
	_ =	sdelay $0x3  }
0x36: {  	p1 =	seq.s32 s10, $0x1;
	s10 =	sld [smem:$0x3FB2];
	_ =	sdelay $0x3  }
0x37: {  	[smem:$0x3FB2] =	sst s10  }
0x38: {  	s10 =	sld [smem:$0x3FB3]  }
0x39: {  	_ = 	snop;
	(pc) =	sbr.ind lr, $3  }
0x3a: {  	_ = 	snop  }
0x3b: {  	_ = 	snop  }
0x3c: {  	p2 =	seq.s32 s10, $0x1;
	s10 =	sld [smem:$0x3FB2]  }
0x3d: {  	_ =	shalt  }
0x3e: {  	_ =	shalt  }
0x3f: {  	_ =	shalt  }
0x40: {  	_ =	shalt  }
0x41: {  	_ =	shalt  }
0x42: {  	_ =	shalt  }
0x43: {  	_ =	shalt  }
0x44: {  	_ =	shalt  }
0x45: {  	_ =	shalt  }
0x46: {  	_ =	shalt  }
0x47: {  	_ =	shalt  }
0x48: {  	_ =	shalt  }
0x49: {  	_ =	shalt  }
0x4a: {  	_ =	shalt  }
0x4b: {  	_ =	shalt  }
0x4c: {  	_ =	shalt  }
0x4d: {  	_ =	shalt  }
0x4e: {  	_ =	shalt  }
0x4f: {  	_ =	shalt  }
0x50: {  	_ =	shalt  }
0x51: {  	_ =	shalt  }
0x52: {  	_ =	shalt  }
0x53: {  	_ =	shalt  }
0x54: {  	_ =	shalt  }
0x55: {  	_ =	shalt  }
0x56: {  	_ =	shalt  }
0x57: {  	_ =	shalt  }
0x58: {  	_ =	shalt  }
0x59: {  	_ =	shalt  }
0x5a: {  	_ =	shalt  }
0x5b: {  	_ =	shalt  }
0x5c: {  	_ =	shalt  }
0x5d: {  	_ =	shalt  }
0x5e: {  	_ =	shalt  }
0x5f: {  	_ =	shalt  }
0x60: {  	_ =	shalt  }
0x61: {  	_ =	shalt  }
0x62: {  	_ =	shalt  }
0x63: {  	_ =	shalt  }
0x64: {  	_ =	shalt  }
0x65: {  	_ =	shalt  }
0x66: {  	_ =	shalt  }
0x67: {  	_ =	shalt  }
0x68: {  	_ =	shalt  }
0x69: {  	_ =	shalt  }
0x6a: {  	_ =	shalt  }
0x6b: {  	_ =	shalt  }
0x6c: {  	_ =	shalt  }
0x6d: {  	_ =	shalt  }
0x6e: {  	_ =	shalt  }
0x6f: {  	_ =	shalt  }
0x70: {  	_ =	shalt  }
0x71: {  	_ =	shalt  }
0x72: {  	_ =	shalt  }
0x73: {  	_ =	shalt  }
0x74: {  	_ =	shalt  }
0x75: {  	_ =	shalt  }
0x76: {  	_ =	shalt  }
0x77: {  	_ =	shalt  }
0x78: {  	_ =	shalt  }
0x79: {  	_ =	shalt  }
0x7a: {  	_ =	shalt  }
0x7b: {  	_ =	shalt  }
0x7c: {  	_ =	shalt  }
0x7d: {  	_ =	shalt  }
0x7e: {  	_ =	shalt  }
0x7f: {  	_ =	shalt  }
0x80: {  	_ =	shalt  }
0x81: {  	_ =	shalt  }
0x82: {  	_ =	shalt  }
0x83: {  	_ =	shalt  }
0x84: {  	_ =	shalt  }
0x85: {  	_ =	shalt  }
0x86: {  	_ =	shalt  }
0x87: {  	_ =	shalt  }
.Lfunc_end0:
.L_simem_size_0:
called_computation.1_lowered:
.L_overlay_start_0:
0x88: {  	s2 =	sld [smem:$0x3FD9]  }
0x89: {  	s3 =	sld [smem:$0x3FFE];
	_ =	sdelay $0x1  }
0x8a: {  	s1 =	srdreg.scid  }
0x8b: {  	s0 =	sand.u32 $0x1, s1  }
0x8c: {  	s17 =	sshll.u32 s0, $0xA;
	s2 =	sadd.s32 s3, s2  }
0x8d: {  	s2 =	sadd.s32 s2, s17  }
0x8e: {  	[smem:$0x3FBE] =	sst s2  }
0x8f: {  	_ = 	snop  }
0x90: {  	s2 =	sld [smem:$0x3FD0];
	(tm) =	ssettm $0x1  }
0x91: {  	s18 =	sld [smem:$0x3FFB];
	_ =	sdelay $0x3  }
0x92: {  	_ =	strace s18  }
0x93: {  	s3 =	sld [smem:$0x3FFC];
	_ =	sdelay $0x3  }
0x94: {  	_ =	strace s3  }
0x95: {  	s3 =	sld [smem:$0x3FFD];
	_ =	sdelay $0x3  }
0x96: {  	_ =	strace s3  }
0x97: {  	_ =	strace $0x8FFFFFFF  }
0x98: {  	s19 =	sld [smem:$0x3FDB];
	_ =	sdelay $0x1  }
0x99: {  	s4 =	simm.s32 $_scs_section_size  }
0x9a: {  	s5 =	simm.s32 $_size__tile_overlayer_lowered;
	s6 =	simm.s32 $_tile_overlayer_lowered  }
0x9b: {  	s22 =	simm.s32 $0x1BFF;
	s21 =	sshll.u32 s6, $0x1;
	s3 =	sadd.s32 s4, s19  }
0x9c: {  	s7 =	simm.s32 $0x0;
	s20 =	sshll.u32 s5, $0x1;
	s5 =	sadd.s32 s21, s3  }
0x9d: {  	[timem:s7], [sflag:s22] =	dma.local [hbm:s5], s20  }
0x9e: {  	_ =	swait.ge [sflag:s22], s20  }
0x9f: {  	s4 =	ssub.s32 $0x0, s20;
	[sflag:s22] =	ssyncset.done $0x0  }
0xa0: {  	[sflag:s22] =	ssyncadd.s32 s4;
	_ =	sdelay $0x1  }
0xa1: {  	s23 =	simm.s32 $0x1B8B  }
0xa2: {  	_ =	swait.ge [sflag:s23], $0x1  }
0xa3: {  	[sflag:s23] =	ssyncset.done $0x0  }
0xa4: {  	s25 =	simm.s32 $0x1B8E;
	s24 =	sld [smem:$0x3FFE];
	[sflag:s23] =	ssyncadd.s32 $0xFFFFFFFF  }
0xa5: {  	s26 =	simm.s32 $execute0_lowered;
	[smem:$0x3FD2] =	sst s25  }
0xa6: {  	s5 =	sshll.u32 s26, $0x1;
	_ =	strace $0x80000049;
	[dreg:$0x1] =	wrdreg $0xFFFFFFFF  }
0xa7: {  	s28 =	simm.s32 $_size_execute0_lowered;
	s3 =	sadd.s32 s3, s5;
	[dreg:$0x0] =	wrdreg $0x0  }
0xa8: {  	s5 =	sshll.u32 s28, $0x1;
	[dreg:$0x2] =	wrdreg s3  }
0xa9: {  	[dreg:$0x3] =	wrdreg s5  }
0xaa: {  	[dreg:$0x4] =	wrdreg $0xC0  }
0xab: {  	_ =	task [dreg:s7], $0x5FFFF  }
0xac: {  	[dreg:$0x1] =	wrdreg $0xFFFFFFFF  }
0xad: {  	[dreg:$0x0] =	wrdreg $0x60  }
0xae: {  	[dreg:$0x2] =	wrdreg s24  }
0xaf: {  	[dreg:$0x3] =	wrdreg s2  }
0xb0: {  	[dreg:$0x4] =	wrdreg $0x118000  }
0xb1: {  	[dreg:$0x5] =	wrdreg $0x9  }
0xb2: {  	_ =	task.clear_ibuf [dreg:s7], $0x6FFFF;
	_ =	strace $0x90000049  }
0xb3: {  	s29 =	simm.s32 $0x9;
	_ =	strace $0x8000004B  }
0xb4: {  	_ =	swait.ge [sflag:s29], $0x1  }
0xb5: {  	[sflag:s29] =	ssyncadd.s32 $0xFFFFFFFF  }
0xb6: {  	_ =	strace $0x9000004B  }
0xb7: {  	_ =	sfence  }
0xb8: {  	s30 =	sld [smem:$0x0];
	_ =	sdelay $0x2  }
0xb9: {  	s31 =	sshll.u32 s1, $0xD;
	s1 =	sshrl.u32 s1, $0x2  }
0xba: {  	s3 =	sand.u32 $0x4000, s31;
	s1 =	sadd.s32 s1, s30  }
0xbb: {  	s0 =	sor.u32 s3, s0;
	s1 =	sshll.u32 s1, $0x11  }
0xbc: {  	s0 =	sor.u32 s1, s0  }
0xbd: {  	s0 =	sadd.s32 $0x8F2B, s0  }
0xbe: {  	[sflag:s0] =	ssyncadd.remote.s32 $0x1  }
0xbf: {  	_ =	sfence.sel $0xFFFF  }
0xc0: {  	[dreg:$0x0] =	wrdreg $0xFFFFFFFF;
	(pc) =	sbr.abs _section_cstart, $3  }
0xc1: {  	[dreg:$0x1] =	wrdreg $0xFFFFFFFF  }
0xc2: {  	_ =	task.clear_ibuf [dreg:s7], $0x2FFFF;
	_ =	strace $0x9FFFFFFF  }
0xc3: {  	(tm) =	ssettm $0x7FFFFFFF  }
tec
execute0_lowered:
.L_overlay_start_1:
0x0: {  	(tag) =	ssettag $0x1  }
0x1: {  	s0 =	rddreg [dreg:$0x0]  }
0x2: {  	s1 =	rddreg [dreg:$0x1]  }
0x3: {  	s2 =	rddreg [dreg:$0x2]  }
0x4: {  	s3 =	srdreg.scid;
	s8 =	stileid.u32;
	s14 =	simm.s32 $0x11000  }
0x5: {  	s15 =	simm.s32 $0x3;
	s16 =	simm.s32 $0x2800;
	s17 =	simm.s32 $0x400  }
0x6: {  	s18 =	simm.s32 $0x5000;
	s19 =	simm.s32 $0x9000;
	s20 =	simm.s32 $0x1  }
0x7: {  	s22 =	simm.s32 $0xD000;
	s24 =	simm.s32 $0x2;
	s28 =	simm.s32 $0x2000  }
0x8: {  	s29 =	simm.s32 $0x4400;
	s30 =	simm.s32 $0x2400;
	s9 =	smul.u32 $0x2800, s8  }
0x9: {  	s5 =	sand.u32 $0x1, s3;
	s4 =	sshll.u32 s8, $0x1;
	s8 =	smul.u32 $0xA000, s8  }
0xa: {  	s31 =	simm.s32 $0x4800;
	s3 =	simm.s32 $0x0;
	s6 =	smul.u32 $0x28000, s5  }
0xb: {  	[smem:$0x7FF] =	sst s3;
	s4 =	sor.u32 s5, s4;
	s5 =	ssub.s32 $0x2, s5  }
0xc: {  	_ =	strace $0x8000004A;
	s7 =	smul.u32 $0x500, s4;
	s4 =	sadd.s32 $0xC000, s0  }
0xd: {  	s25 =	sshrl.u32 s5, $0x1;
	s8 =	sshrl.u32 s8, $0x2;
	s26 =	sadd.s32 s9, s2  }
0xe: {  	s6 =	sadd.s32 s9, s6;
	s11 =	ssub.s32 s5, s25;
	s5 =	sadd.s32 s8, s2  }
0xf: {  	s25 =	sshrl.u32 s26, $0x3;
	s26 =	simm.s32 $0x4000;
	s10 =	sadd.s32 s7, s0  }
0x10: {  	s6 =	sshrl.u32 s6, $0x3;
	s9 =	smax.u32 s11, $0x1;
	s11 =	sadd.s32 $0x1000, s5  }
0x11: {  	s12 =	sadd.s32 $0x1800, s5;
	s13 =	sadd.s32 $0x2000, s5;
	s0 =	sadd.s32 s6, s0  }
0x12: {  	s6 =	sadd.s32 s1, s7;
	s7 =	sadd.s32 $0x2000, s10;
	s10 =	sadd.s32 $0x800, s5  }
0x13: {  	v0 =	vimm.f32 $0.0e+00;
	s1 =	simm.s32 $0x0;
	s8 =	sadd.s32 $0x11000, s0;
	s0 =	simm.s32 $0x4C00  }
.LBB2_1:
0x14: {  	s21 =	simm.s32 $0x40;
	s23 =	simm.s32 $0x0  }
.LBB2_2:
0x15: {  	p0 =	sne.s32 s21, $0x1FC0;
	[tilespmem:s23+$0x11000] =	vst v0;
	s23 =	smov.u32 s21;
	s21 =	sadd.s32 $0x40, s21  }
.Ltmp0:
0x16: {  	(pc) =	sbr.rel @p0 .LBB2_2-.Ltmp0, $2  }
0x17: {  	_ =	sdelay $0x2  }
0x18: {  	s23 =	sshra.s32 s23, $0x2  }
0x19: {  	[tilespmem:s23+$0x11000] =	vst v0  }
0x1a: {  	[spmem:s5] =	stream.linear.scatter [tilespmem:s14], [sflag:$0x3], $0x800, $0x38;
	[tilespmem:$0x14000] =	vst v63  }
0x1b: {  	_ =	swait.ge [sflag:s15], $0x800  }
0x1c: {  	[sflag:s15] =	ssyncset.done $0x0  }
0x1d: {  	[sflag:s15] =	ssyncadd.s32 $0xFFFFF800  }
0x1e: {  	[spmem:s10] =	stream.linear.scatter [tilespmem:s14], [sflag:$0x3], $0x800, $0x38;
	[tilespmem:$0x14000] =	vst v63  }
0x1f: {  	_ =	swait.ge [sflag:s15], $0x800  }
0x20: {  	[sflag:s15] =	ssyncset.done $0x0  }
0x21: {  	[sflag:s15] =	ssyncadd.s32 $0xFFFFF800  }
0x22: {  	[spmem:s11] =	stream.linear.scatter [tilespmem:s14], [sflag:$0x3], $0x800, $0x38;
	[tilespmem:$0x14000] =	vst v63  }
0x23: {  	_ =	swait.ge [sflag:s15], $0x800  }
0x24: {  	[sflag:s15] =	ssyncset.done $0x0  }
0x25: {  	[sflag:s15] =	ssyncadd.s32 $0xFFFFF800  }
0x26: {  	[spmem:s12] =	stream.linear.scatter [tilespmem:s14], [sflag:$0x3], $0x800, $0x38;
	[tilespmem:$0x14000] =	vst v63  }
0x27: {  	_ =	swait.ge [sflag:s15], $0x800  }
0x28: {  	[sflag:s15] =	ssyncset.done $0x0  }
0x29: {  	[sflag:s15] =	ssyncadd.s32 $0xFFFFF800  }
0x2a: {  	[spmem:s13] =	stream.linear.scatter [tilespmem:s14], [sflag:$0x3], $0x800, $0x38;
	[tilespmem:$0x14000] =	vst v63  }
0x2b: {  	_ =	swait.ge [sflag:s15], $0x800  }
0x2c: {  	[sflag:s15] =	ssyncset.done $0x0  }
0x2d: {  	[sflag:s15] =	ssyncadd.s32 $0xFFFFF800  }
0x2e: {  	[tilespmem:s3], [sflag:$0x3] =	stream.linear.gather [hbm4b:s6+s3], $0x2800, $0x38;
	[tilespmem:$0x14000] =	vst v63  }
0x2f: {  	_ =	swait.ge [sflag:s15], $0x2800  }
0x30: {  	[sflag:s15] =	ssyncset.done $0x0  }
0x31: {  	[sflag:s15] =	ssyncadd.s32 $0xFFFFD800  }
0x32: {  	[tilespmem:s16], [sflag:$0x3] =	stream.linear.gather [hbm4b:s7+s3], $0x2800, $0x38;
	[tilespmem:$0x14000] =	vst v63  }
0x33: {  	_ =	swait.ge [sflag:s15], $0x2800  }
0x34: {  	[sflag:s15] =	ssyncset.done $0x0  }
0x35: {  	[sflag:s15] =	ssyncadd.s32 $0xFFFFD800  }
0x36: {  	[bflag:$0x0] =	sbarrier.arrive $0xFFFF  }
0x37: {  	[tilespmem:s18], [sflag:$0x1] =	stream.indirect.gather [hbm4b:s4+s17], $0x10, s3, s17, $0xb8;
	[tilespmem:$0x14000] =	vst v63  }
0x38: {  	_ = 	snop  }
0x39: {  	[tilespmem:s19], [sflag:$0x1] =	stream.indirect.gather [hbm4b:s4+s17], $0x10, s17, s17, $0xb8;
	[tilespmem:$0x14000] =	vst v63  }
0x3a: {  	_ =	swait.ge [sflag:s20], $0x4000  }
0x3b: {  	[sflag:s20] =	ssyncset.done $0x0  }
0x3c: {  	[sflag:s20] =	ssyncadd.s32 $0xFFFFC000  }
0x3d: {  	[spmem:s2] =	stream.indirect.scatter.add.f32 [tilespmem:s18], [sflag:$0x2], $0x10, s16, s17, $0xb8;
	[tilespmem:$0x14000] =	vst v63  }
0x3e: {  	s21 =	simm.s32 $0x800  }
0x3f: {  	[tilespmem:s22], [sflag:$0x1] =	stream.indirect.gather [hbm4b:s4+s17], $0x10, s21, s17, $0xb8;
	[tilespmem:$0x14000] =	vst v63  }
0x40: {  	_ =	swait.ge [sflag:s20], $0x4000  }
0x41: {  	[sflag:s20] =	ssyncset.done $0x0  }
0x42: {  	s23 =	simm.s32 $0x2C00;
	[sflag:s20] =	ssyncadd.s32 $0xFFFFC000  }
0x43: {  	[spmem:s2] =	stream.indirect.scatter.add.f32 [tilespmem:s19], [sflag:$0x2], $0x10, s23, s17, $0xb8;
	[tilespmem:$0x14000] =	vst v63  }
0x44: {  	_ =	swait.ge [sflag:s24], $0x4000  }
0x45: {  	[sflag:s24] =	ssyncset.done $0x0  }
0x46: {  	s23 =	simm.s32 $0xC00;
	[sflag:s24] =	ssyncadd.s32 $0xFFFFC000  }
0x47: {  	[tilespmem:s18], [sflag:$0x1] =	stream.indirect.gather [hbm4b:s4+s17], $0x10, s23, s17, $0xb8;
	[tilespmem:$0x14000] =	vst v63  }
0x48: {  	_ =	swait.ge [sflag:s20], $0x4000  }
0x49: {  	[sflag:s20] =	ssyncset.done $0x0  }
0x4a: {  	s23 =	simm.s32 $0x3000;
	[sflag:s20] =	ssyncadd.s32 $0xFFFFC000  }
0x4b: {  	[spmem:s2] =	stream.indirect.scatter.add.f32 [tilespmem:s22], [sflag:$0x2], $0x10, s23, s17, $0xb8;
	[tilespmem:$0x14000] =	vst v63  }
0x4c: {  	_ =	swait.ge [sflag:s24], $0x4000  }
0x4d: {  	[sflag:s24] =	ssyncset.done $0x0  }
0x4e: {  	s23 =	simm.s32 $0x1000;
	[sflag:s24] =	ssyncadd.s32 $0xFFFFC000  }
0x4f: {  	[tilespmem:s19], [sflag:$0x1] =	stream.indirect.gather [hbm4b:s4+s17], $0x10, s23, s17, $0xb8;
	[tilespmem:$0x14000] =	vst v63  }
0x50: {  	_ =	swait.ge [sflag:s20], $0x4000  }
0x51: {  	[sflag:s20] =	ssyncset.done $0x0  }
0x52: {  	s23 =	simm.s32 $0x3400;
	[sflag:s20] =	ssyncadd.s32 $0xFFFFC000  }
0x53: {  	[spmem:s2] =	stream.indirect.scatter.add.f32 [tilespmem:s18], [sflag:$0x2], $0x10, s23, s17, $0xb8;
	[tilespmem:$0x14000] =	vst v63  }
0x54: {  	_ =	swait.ge [sflag:s24], $0x4000  }
0x55: {  	[sflag:s24] =	ssyncset.done $0x0  }
0x56: {  	s23 =	simm.s32 $0x1400;
	[sflag:s24] =	ssyncadd.s32 $0xFFFFC000  }
0x57: {  	[tilespmem:s22], [sflag:$0x1] =	stream.indirect.gather [hbm4b:s4+s17], $0x10, s23, s17, $0xb8;
	[tilespmem:$0x14000] =	vst v63  }
0x58: {  	_ =	swait.ge [sflag:s20], $0x4000  }
0x59: {  	[sflag:s20] =	ssyncset.done $0x0  }
0x5a: {  	s23 =	simm.s32 $0x3800;
	[sflag:s20] =	ssyncadd.s32 $0xFFFFC000  }
0x5b: {  	[spmem:s2] =	stream.indirect.scatter.add.f32 [tilespmem:s19], [sflag:$0x2], $0x10, s23, s17, $0xb8;
	[tilespmem:$0x14000] =	vst v63  }
0x5c: {  	_ =	swait.ge [sflag:s24], $0x4000  }
0x5d: {  	[sflag:s24] =	ssyncset.done $0x0  }
0x5e: {  	s23 =	simm.s32 $0x1800;
	[sflag:s24] =	ssyncadd.s32 $0xFFFFC000  }
0x5f: {  	[tilespmem:s18], [sflag:$0x1] =	stream.indirect.gather [hbm4b:s4+s17], $0x10, s23, s17, $0xb8;
	[tilespmem:$0x14000] =	vst v63  }
0x60: {  	_ =	swait.ge [sflag:s20], $0x4000  }
0x61: {  	[sflag:s20] =	ssyncset.done $0x0  }
0x62: {  	s23 =	simm.s32 $0x3C00;
	[sflag:s20] =	ssyncadd.s32 $0xFFFFC000  }
0x63: {  	[spmem:s2] =	stream.indirect.scatter.add.f32 [tilespmem:s22], [sflag:$0x2], $0x10, s23, s17, $0xb8;
	[tilespmem:$0x14000] =	vst v63  }
0x64: {  	_ =	swait.ge [sflag:s24], $0x4000  }
0x65: {  	[sflag:s24] =	ssyncset.done $0x0  }
0x66: {  	s23 =	simm.s32 $0x1C00;
	[sflag:s24] =	ssyncadd.s32 $0xFFFFC000  }
0x67: {  	[tilespmem:s19], [sflag:$0x1] =	stream.indirect.gather [hbm4b:s4+s17], $0x10, s23, s17, $0xb8;
	[tilespmem:$0x14000] =	vst v63  }
0x68: {  	_ =	swait.ge [sflag:s20], $0x4000  }
0x69: {  	[sflag:s20] =	ssyncset.done $0x0  }
0x6a: {  	[sflag:s20] =	ssyncadd.s32 $0xFFFFC000  }
0x6b: {  	[spmem:s2] =	stream.indirect.scatter.add.f32 [tilespmem:s18], [sflag:$0x2], $0x10, s26, s17, $0xb8;
	[tilespmem:$0x14000] =	vst v63  }
0x6c: {  	_ =	swait.ge [sflag:s24], $0x4000  }
0x6d: {  	[sflag:s24] =	ssyncset.done $0x0  }
0x6e: {  	[sflag:s24] =	ssyncadd.s32 $0xFFFFC000  }
0x6f: {  	[tilespmem:s22], [sflag:$0x1] =	stream.indirect.gather [hbm4b:s4+s17], $0x10, s28, s17, $0xb8;
	[tilespmem:$0x14000] =	vst v63  }
0x70: {  	_ =	swait.ge [sflag:s20], $0x4000  }
0x71: {  	[sflag:s20] =	ssyncset.done $0x0  }
0x72: {  	[sflag:s20] =	ssyncadd.s32 $0xFFFFC000  }
0x73: {  	[spmem:s2] =	stream.indirect.scatter.add.f32 [tilespmem:s19], [sflag:$0x2], $0x10, s29, s17, $0xb8;
	[tilespmem:$0x14000] =	vst v63  }
0x74: {  	_ =	swait.ge [sflag:s24], $0x4000  }
0x75: {  	[sflag:s24] =	ssyncset.done $0x0  }
0x76: {  	[sflag:s24] =	ssyncadd.s32 $0xFFFFC000  }
0x77: {  	[tilespmem:s18], [sflag:$0x1] =	stream.indirect.gather [hbm4b:s4+s17], $0x10, s30, s17, $0xb8;
	[tilespmem:$0x14000] =	vst v63  }
0x78: {  	_ =	swait.ge [sflag:s20], $0x4000  }
0x79: {  	[sflag:s20] =	ssyncset.done $0x0  }
0x7a: {  	[sflag:s20] =	ssyncadd.s32 $0xFFFFC000  }
0x7b: {  	[spmem:s2] =	stream.indirect.scatter.add.f32 [tilespmem:s22], [sflag:$0x2], $0x10, s31, s17, $0xb8;
	[tilespmem:$0x14000] =	vst v63  }
0x7c: {  	_ =	swait.ge [sflag:s24], $0x4000  }
0x7d: {  	[sflag:s24] =	ssyncset.done $0x0  }
0x7e: {  	[sflag:s24] =	ssyncadd.s32 $0xFFFFC000  }
0x7f: {  	_ =	swait.ge [sflag:s20], $0x4000  }
0x80: {  	[sflag:s20] =	ssyncset.done $0x0  }
0x81: {  	[sflag:s20] =	ssyncadd.s32 $0xFFFFC000  }
0x82: {  	[spmem:s2] =	stream.indirect.scatter.add.f32 [tilespmem:s18], [sflag:$0x2], $0x10, s0, s17, $0xb8;
	[tilespmem:$0x14000] =	vst v63  }
0x83: {  	_ =	swait.ge [sflag:s24], $0x4000  }
0x84: {  	[sflag:s24] =	ssyncset.done $0x0  }
0x85: {  	[sflag:s24] =	ssyncadd.s32 $0xFFFFC000  }
0x86: {  	_ =	swait.ge [sflag:s24], $0x4000  }
0x87: {  	s1 =	sadd.s32 $0x1, s1;
	s23 =	stileid.u32;
	[sflag:s24] =	ssyncset.done $0x0  }
0x88: {  	p0 =	sne.s32 s1, s9;
	s21 =	sshll.u32 s23, $0x6;
	[sflag:s24] =	ssyncadd.s32 $0xFFFFC000  }
.Ltmp1:
0x89: {  	s21 =	sor.u32 $0x1C03, s21;
	[bflag:$0x0] =	sbarrier.arrive $0xFFFF;
	(pc) =	sbr.rel @p0 .LBB2_1-.Ltmp1, $4  }
0x8a: {  	[hbm:s8], [sflag:s21] =	dma.local [spmem:s25], $0x500  }
0x8b: {  	_ =	swait.ge [sflag:s15], $0x500  }
0x8c: {  	[sflag:s15] =	ssyncset.done $0x0  }
0x8d: {  	[sflag:s15] =	ssyncadd.s32 $0xFFFFFB00  }
0x8e: {  	_ =	sfence.sel $0x180000  }
0x8f: {  	[bflag:$0x0] =	sbarrier.arrive $0xFFFF  }
0x90: {  	_ =	strace $0x9000004A  }
0x91: {  	s0 =	stileid.u32;
	[bflag:$0x2] =	sbarrier.arrive $0xFFFF  }
0x92: {  	p0 =	sne.s32 s0, $0x0;
	s0 =	rddreg [dreg:$0x3]  }
0x93: {  	s0 =	sadd.s32 @!p0 $0x100000, s0  }
0x94: {  	[sflag:s0] =	ssyncadd.tile.s32 @!p0 $0x1;
	_ =	shalt  }
.Lfunc_end2:
_tile_overlayer_lowered:
.L_overlay_start_2:
0x95: {  	(tag) =	ssettag $0x2  }
0x96: {  	s0 =	rddreg [dreg:$0x0];
	s2 =	stileid.u32  }
0x97: {  	s1 =	rddreg [dreg:$0x1];
	p0 =	sne.s32 s2, $0x0  }
0x98: {  	s3 =	rddreg [dreg:$0x2];
	[bflag:$0x3] =	sbarrier.arrive $0xFFFF;
	s2 =	simm.s32 @!p0 $0x1C03  }
0x99: {  	[timem:s3], [sflag:s2] =	dma.local @!p0 [hbm:s0], s1  }
0x9a: {  	s0 =	simm.s32 @!p0 $0x3  }
0x9b: {  	_ =	swait.ge @!p0 [sflag:s0], s1  }
0x9c: {  	s1 =	ssub.s32 @!p0 $0x0, s1;
	[sflag:s0] =	ssyncset.done @!p0 $0x0  }
0x9d: {  	[sflag:s0] =	ssyncadd.s32 @!p0 s1  }
0x9e: {  	[bflag:$0x3] =	sbarrier.arrive $0xFFFF  }
0x9f: {  	_ =	shalt  }

// kernel: kernel.7.cloned.1.call-start
scs
__scs_entry_jumppad:
0x0: {  	(pc) =	sbr.rel $0x88, $3  }
0x1: {  	(tag) =	ssettag $0x0;
	lr =	simm.s32 $0x1  }
0x2: {  	[smem:$0x3F97] =	sst lr;
	_ =	strace $0xD0000000  }
0x3: {  	_ = 	snop  }
0x4: {  	_ = 	snop  }
0x5: {  	_ = 	snop  }
0x6: {  	_ = 	snop  }
0x7: {  	_ = 	snop  }
__scs_overlays_trampoline_lowered:
0x8: {  	[smem:$0x3FA6] =	sst s0  }
0x9: {  	[smem:$0x3FA7] =	sst s1  }
0xa: {  	[smem:$0x3FA8] =	sst s2  }
0xb: {  	[smem:$0x3FA9] =	sst s3  }
0xc: {  	[smem:$0x3FAA] =	sst s4  }
0xd: {  	[smem:$0x3FAB] =	sst s5  }
0xe: {  	[smem:$0x3FAC] =	sst s6  }
0xf: {  	[smem:$0x3FAD] =	sst s7  }
0x10: {  	[smem:$0x3FAE] =	sst s8  }
0x11: {  	[smem:$0x3FAF] =	sst s9;
	s0 =	simm.s32 @!p0 $0x0  }
0x12: {  	s1 =	sld [smem:$0x3F95];
	s0 =	simm.s32 @p0 $0x1  }
0x13: {  	[smem:$0x3FB0] =	sst s0;
	s0 =	simm.s32 @!p1 $0x0  }
0x14: {  	s2 =	sld [smem:$0x3F94];
	s0 =	simm.s32 @p1 $0x1  }
0x15: {  	[smem:$0x3FB1] =	sst s0;
	s0 =	simm.s32 @!p2 $0x0  }
0x16: {  	s3 =	sld [smem:$0x3FDB];
	s0 =	simm.s32 @p2 $0x1  }
0x17: {  	s4 =	simm.s32 $0x1BF5;
	[smem:$0x3FB3] =	sst s0  }
0x18: {  	s0 =	sld [smem:$0x3F96];
	_ =	swait.ge [sflag:s4], $0x0  }
0x19: {  	s7 =	sld [smem:$0x3F97]  }
0x1a: {  	s8 =	sadd.s32 $0xFFFFE003, lr  }
0x1b: {  	s9 =	sadd.s32 $0xFFFFFEF7, lr;
	s5 =	simm.s32 $0xFFFFFFFF;
	p2 =	slt.u32 s8, $0xFFFFF086  }
0x1c: {  	p1 =	slt.u32 s9, $0xF7A;
	s5 =	simm.s32 @!p2 $0x0  }
0x1d: {  	s5 =	simm.s32 @p1 $0x1;
	p0 =	seq.s32 s7, s2  }
0x1e: {  	s7 =	smul.u32 @!p0 $0xF7A, s2;
	p2 =	seq.s32 @!p0 s5, $0x0  }
0x1f: {  	s9 =	smul.u32 $0xF7A, s1;
	s8 =	simm.s32 @!p0 $0x1BF5;
	p2 =	por !p2, p0  }
0x20: {  	[sflag:s8] =	ssyncset.s32 @!p0 $0xFFFFF086;
	s6 =	sadd.s32 @!p0 s3, s7;
	s7 =	simm.s32 @!p0 $0x108  }
0x21: {  	s3 =	sadd.s32 s3, s9;
	s6 =	sadd.s32 @!p0 $0x88, s6;
	s7 =	simm.s32 @p2 $0x1082  }
0x22: {  	[simem:s7], [sflag:s8] =	dma.local @!p0 [hbm:s6], $0xF7A  }
0x23: {  	s9 =	sor.u32 $0xD0000000, s2;
	s6 =	simm.s32 $0x108;
	_ =	swait.ge @!p0 [sflag:s8], $0x0  }
0x24: {  	s3 =	sadd.s32 $0x88, s3;
	s6 =	simm.s32 @!p1 $0x1082;
	[sflag:s4] =	ssyncset.s32 $0xFFFFF086  }
0x25: {  	[simem:s6], [sflag:s4] =	dma.local [hbm:s3], $0xF7A  }
0x26: {  	[smem:$0x3F97] =	sst s1;
	(tag) =	ssettag s2;
	_ =	strace s9  }
0x27: {  	s1 =	sld [smem:$0x3FA7]  }
0x28: {  	s2 =	sld [smem:$0x3FA8]  }
0x29: {  	s4 =	sld [smem:$0x3FAA]  }
0x2a: {  	p0 =	seq.s32 s5, $0x0;
	s5 =	sld [smem:$0x3FAB]  }
0x2b: {  	s6 =	sld [smem:$0x3FAC]  }
0x2c: {  	s7 =	sld [smem:$0x3FAD]  }
0x2d: {  	s3 =	simm.s32 $0x108;
	s8 =	sld [smem:$0x3FAE]  }
0x2e: {  	s3 =	simm.s32 @!p0 $0x1082;
	s9 =	sld [smem:$0x3FAF]  }
0x2f: {  	lr =	sadd.s32 s0, s3;
	s0 =	sld [smem:$0x3FA6]  }
0x30: {  	s3 =	sld [smem:$0x3FA9]  }
0x31: {  	[smem:$0x3FB2] =	sst s10  }
0x32: {  	s10 =	sld [smem:$0x3FB0];
	_ =	sdelay $0x3  }
0x33: {  	p0 =	seq.s32 s10, $0x1;
	s10 =	sld [smem:$0x3FB2];
	_ =	sdelay $0x3  }
0x34: {  	[smem:$0x3FB2] =	sst s10  }
0x35: {  	s10 =	sld [smem:$0x3FB1];
	_ =	sdelay $0x3  }
0x36: {  	p1 =	seq.s32 s10, $0x1;
	s10 =	sld [smem:$0x3FB2];
	_ =	sdelay $0x3  }
0x37: {  	[smem:$0x3FB2] =	sst s10  }
0x38: {  	s10 =	sld [smem:$0x3FB3]  }
0x39: {  	_ = 	snop;
	(pc) =	sbr.ind lr, $3  }
0x3a: {  	_ = 	snop  }
0x3b: {  	_ = 	snop  }
0x3c: {  	p2 =	seq.s32 s10, $0x1;
	s10 =	sld [smem:$0x3FB2]  }
0x3d: {  	_ =	shalt  }
0x3e: {  	_ =	shalt  }
0x3f: {  	_ =	shalt  }
0x40: {  	_ =	shalt  }
0x41: {  	_ =	shalt  }
0x42: {  	_ =	shalt  }
0x43: {  	_ =	shalt  }
0x44: {  	_ =	shalt  }
0x45: {  	_ =	shalt  }
0x46: {  	_ =	shalt  }
0x47: {  	_ =	shalt  }
0x48: {  	_ =	shalt  }
0x49: {  	_ =	shalt  }
0x4a: {  	_ =	shalt  }
0x4b: {  	_ =	shalt  }
0x4c: {  	_ =	shalt  }
0x4d: {  	_ =	shalt  }
0x4e: {  	_ =	shalt  }
0x4f: {  	_ =	shalt  }
0x50: {  	_ =	shalt  }
0x51: {  	_ =	shalt  }
0x52: {  	_ =	shalt  }
0x53: {  	_ =	shalt  }
0x54: {  	_ =	shalt  }
0x55: {  	_ =	shalt  }
0x56: {  	_ =	shalt  }
0x57: {  	_ =	shalt  }
0x58: {  	_ =	shalt  }
0x59: {  	_ =	shalt  }
0x5a: {  	_ =	shalt  }
0x5b: {  	_ =	shalt  }
0x5c: {  	_ =	shalt  }
0x5d: {  	_ =	shalt  }
0x5e: {  	_ =	shalt  }
0x5f: {  	_ =	shalt  }
0x60: {  	_ =	shalt  }
0x61: {  	_ =	shalt  }
0x62: {  	_ =	shalt  }
0x63: {  	_ =	shalt  }
0x64: {  	_ =	shalt  }
0x65: {  	_ =	shalt  }
0x66: {  	_ =	shalt  }
0x67: {  	_ =	shalt  }
0x68: {  	_ =	shalt  }
0x69: {  	_ =	shalt  }
0x6a: {  	_ =	shalt  }
0x6b: {  	_ =	shalt  }
0x6c: {  	_ =	shalt  }
0x6d: {  	_ =	shalt  }
0x6e: {  	_ =	shalt  }
0x6f: {  	_ =	shalt  }
0x70: {  	_ =	shalt  }
0x71: {  	_ =	shalt  }
0x72: {  	_ =	shalt  }
0x73: {  	_ =	shalt  }
0x74: {  	_ =	shalt  }
0x75: {  	_ =	shalt  }
0x76: {  	_ =	shalt  }
0x77: {  	_ =	shalt  }
0x78: {  	_ =	shalt  }
0x79: {  	_ =	shalt  }
0x7a: {  	_ =	shalt  }
0x7b: {  	_ =	shalt  }
0x7c: {  	_ =	shalt  }
0x7d: {  	_ =	shalt  }
0x7e: {  	_ =	shalt  }
0x7f: {  	_ =	shalt  }
0x80: {  	_ =	shalt  }
0x81: {  	_ =	shalt  }
0x82: {  	_ =	shalt  }
0x83: {  	_ =	shalt  }
0x84: {  	_ =	shalt  }
0x85: {  	_ =	shalt  }
0x86: {  	_ =	shalt  }
0x87: {  	_ =	shalt  }
.Lfunc_end0:
.L_simem_size_0:
called_computation_lowered:
.L_overlay_start_0:
0x88: {  	s2 =	sld [smem:$0x3FD9]  }
0x89: {  	s3 =	sld [smem:$0x3FFE];
	_ =	sdelay $0x1  }
0x8a: {  	s1 =	srdreg.scid  }
0x8b: {  	s0 =	sand.u32 $0x1, s1  }
0x8c: {  	s17 =	sshll.u32 s0, $0xA;
	s2 =	sadd.s32 s3, s2  }
0x8d: {  	s2 =	sadd.s32 s2, s17  }
0x8e: {  	[smem:$0x3FBE] =	sst s2  }
0x8f: {  	_ = 	snop  }
0x90: {  	s2 =	sld [smem:$0x3FD0];
	(tm) =	ssettm $0x1  }
0x91: {  	s18 =	sld [smem:$0x3FFB];
	_ =	sdelay $0x3  }
0x92: {  	_ =	strace s18  }
0x93: {  	s3 =	sld [smem:$0x3FFC];
	_ =	sdelay $0x3  }
0x94: {  	_ =	strace s3  }
0x95: {  	s3 =	sld [smem:$0x3FFD];
	_ =	sdelay $0x3  }
0x96: {  	_ =	strace s3  }
0x97: {  	_ =	strace $0x8FFFFFFF  }
0x98: {  	s19 =	sld [smem:$0x3FDB];
	_ =	sdelay $0x1  }
0x99: {  	s4 =	simm.s32 $_scs_section_size  }
0x9a: {  	s5 =	simm.s32 $_size__tile_overlayer_lowered;
	s6 =	simm.s32 $_tile_overlayer_lowered  }
0x9b: {  	s22 =	simm.s32 $0x1BFF;
	s21 =	sshll.u32 s6, $0x1;
	s3 =	sadd.s32 s4, s19  }
0x9c: {  	s7 =	simm.s32 $0x0;
	s20 =	sshll.u32 s5, $0x1;
	s5 =	sadd.s32 s21, s3  }
0x9d: {  	[timem:s7], [sflag:s22] =	dma.local [hbm:s5], s20  }
0x9e: {  	_ =	swait.ge [sflag:s22], s20  }
0x9f: {  	s4 =	ssub.s32 $0x0, s20;
	[sflag:s22] =	ssyncset.done $0x0  }
0xa0: {  	[sflag:s22] =	ssyncadd.s32 s4;
	_ =	sdelay $0x1  }
0xa1: {  	s23 =	simm.s32 $0x1B8B  }
0xa2: {  	_ =	swait.ge [sflag:s23], $0x1  }
0xa3: {  	[sflag:s23] =	ssyncset.done $0x0  }
0xa4: {  	s25 =	simm.s32 $0x1B8E;
	s24 =	sld [smem:$0x3FFE];
	[sflag:s23] =	ssyncadd.s32 $0xFFFFFFFF  }
0xa5: {  	s26 =	simm.s32 $execute0_lowered;
	[smem:$0x3FD2] =	sst s25  }
0xa6: {  	s5 =	sshll.u32 s26, $0x1;
	_ =	strace $0x80000046;
	[dreg:$0x1] =	wrdreg $0xFFFFFFFF  }
0xa7: {  	s28 =	simm.s32 $_size_execute0_lowered;
	s3 =	sadd.s32 s3, s5;
	[dreg:$0x0] =	wrdreg $0x0  }
0xa8: {  	s5 =	sshll.u32 s28, $0x1;
	[dreg:$0x2] =	wrdreg s3  }
0xa9: {  	[dreg:$0x3] =	wrdreg s5  }
0xaa: {  	[dreg:$0x4] =	wrdreg $0xC0  }
0xab: {  	_ =	task [dreg:s7], $0x5FFFF  }
0xac: {  	[dreg:$0x1] =	wrdreg $0xFFFFFFFF  }
0xad: {  	[dreg:$0x0] =	wrdreg $0x60  }
0xae: {  	[dreg:$0x2] =	wrdreg s24  }
0xaf: {  	[dreg:$0x3] =	wrdreg s2  }
0xb0: {  	[dreg:$0x4] =	wrdreg $0x118000  }
0xb1: {  	[dreg:$0x5] =	wrdreg $0x9  }
0xb2: {  	_ =	task.clear_ibuf [dreg:s7], $0x6FFFF;
	_ =	strace $0x90000046  }
0xb3: {  	s29 =	simm.s32 $0x9;
	_ =	strace $0x80000048  }
0xb4: {  	_ =	swait.ge [sflag:s29], $0x1  }
0xb5: {  	[sflag:s29] =	ssyncadd.s32 $0xFFFFFFFF  }
0xb6: {  	_ =	strace $0x90000048  }
0xb7: {  	_ =	sfence  }
0xb8: {  	s30 =	sld [smem:$0x0];
	_ =	sdelay $0x2  }
0xb9: {  	s31 =	sshll.u32 s1, $0xD;
	s1 =	sshrl.u32 s1, $0x2  }
0xba: {  	s3 =	sand.u32 $0x4000, s31;
	s1 =	sadd.s32 s1, s30  }
0xbb: {  	s0 =	sor.u32 s3, s0;
	s1 =	sshll.u32 s1, $0x11  }
0xbc: {  	s0 =	sor.u32 s1, s0  }
0xbd: {  	s0 =	sadd.s32 $0x8F2B, s0  }
0xbe: {  	[sflag:s0] =	ssyncadd.remote.s32 $0x1  }
0xbf: {  	_ =	sfence.sel $0xFFFF  }
0xc0: {  	[dreg:$0x0] =	wrdreg $0xFFFFFFFF;
	(pc) =	sbr.abs _section_cstart, $3  }
0xc1: {  	[dreg:$0x1] =	wrdreg $0xFFFFFFFF  }
0xc2: {  	_ =	task.clear_ibuf [dreg:s7], $0x2FFFF;
	_ =	strace $0x9FFFFFFF  }
0xc3: {  	(tm) =	ssettm $0x7FFFFFFF  }
tec
execute0_lowered:
.L_overlay_start_1:
0x0: {  	(tag) =	ssettag $0x1  }
0x1: {  	s0 =	rddreg [dreg:$0x0]  }
0x2: {  	s1 =	rddreg [dreg:$0x1]  }
0x3: {  	s2 =	rddreg [dreg:$0x2]  }
0x4: {  	s3 =	srdreg.scid;
	s8 =	stileid.u32;
	s14 =	simm.s32 $0x11000  }
0x5: {  	s15 =	simm.s32 $0x3;
	s16 =	simm.s32 $0x2800;
	s17 =	simm.s32 $0x400  }
0x6: {  	s18 =	simm.s32 $0x5000;
	s19 =	simm.s32 $0x9000;
	s20 =	simm.s32 $0x1  }
0x7: {  	s22 =	simm.s32 $0xD000;
	s24 =	simm.s32 $0x2;
	s28 =	simm.s32 $0x2000  }
0x8: {  	s29 =	simm.s32 $0x4400;
	s30 =	simm.s32 $0x2400;
	s9 =	smul.u32 $0x2800, s8  }
0x9: {  	s5 =	sand.u32 $0x1, s3;
	s4 =	sshll.u32 s8, $0x1;
	s8 =	smul.u32 $0xA000, s8  }
0xa: {  	s31 =	simm.s32 $0x4800;
	s3 =	simm.s32 $0x0;
	s6 =	smul.u32 $0x28000, s5  }
0xb: {  	[smem:$0x7FF] =	sst s3;
	s4 =	sor.u32 s5, s4;
	s5 =	ssub.s32 $0x2, s5  }
0xc: {  	_ =	strace $0x80000047;
	s7 =	smul.u32 $0x500, s4;
	s4 =	sadd.s32 $0xC000, s0  }
0xd: {  	s25 =	sshrl.u32 s5, $0x1;
	s8 =	sshrl.u32 s8, $0x2;
	s26 =	sadd.s32 s9, s2  }
0xe: {  	s6 =	sadd.s32 s9, s6;
	s11 =	ssub.s32 s5, s25;
	s5 =	sadd.s32 s8, s2  }
0xf: {  	s25 =	sshrl.u32 s26, $0x3;
	s26 =	simm.s32 $0x4000;
	s10 =	sadd.s32 s7, s0  }
0x10: {  	s6 =	sshrl.u32 s6, $0x3;
	s9 =	smax.u32 s11, $0x1;
	s11 =	sadd.s32 $0x1000, s5  }
0x11: {  	s12 =	sadd.s32 $0x1800, s5;
	s13 =	sadd.s32 $0x2000, s5;
	s0 =	sadd.s32 s6, s0  }
0x12: {  	s6 =	sadd.s32 s1, s7;
	s7 =	sadd.s32 $0x2000, s10;
	s10 =	sadd.s32 $0x800, s5  }
0x13: {  	v0 =	vimm.f32 $0.0e+00;
	s1 =	simm.s32 $0x0;
	s8 =	sadd.s32 $0x11000, s0;
	s0 =	simm.s32 $0x4C00  }
.LBB2_1:
0x14: {  	s21 =	simm.s32 $0x40;
	s23 =	simm.s32 $0x0  }
.LBB2_2:
0x15: {  	p0 =	sne.s32 s21, $0x1FC0;
	[tilespmem:s23+$0x11000] =	vst v0;
	s23 =	smov.u32 s21;
	s21 =	sadd.s32 $0x40, s21  }
.Ltmp0:
0x16: {  	(pc) =	sbr.rel @p0 .LBB2_2-.Ltmp0, $2  }
0x17: {  	_ =	sdelay $0x2  }
0x18: {  	s23 =	sshra.s32 s23, $0x2  }
0x19: {  	[tilespmem:s23+$0x11000] =	vst v0  }
0x1a: {  	[spmem:s5] =	stream.linear.scatter [tilespmem:s14], [sflag:$0x3], $0x800, $0x38;
	[tilespmem:$0x14000] =	vst v63  }
0x1b: {  	_ =	swait.ge [sflag:s15], $0x800  }
0x1c: {  	[sflag:s15] =	ssyncset.done $0x0  }
0x1d: {  	[sflag:s15] =	ssyncadd.s32 $0xFFFFF800  }
0x1e: {  	[spmem:s10] =	stream.linear.scatter [tilespmem:s14], [sflag:$0x3], $0x800, $0x38;
	[tilespmem:$0x14000] =	vst v63  }
0x1f: {  	_ =	swait.ge [sflag:s15], $0x800  }
0x20: {  	[sflag:s15] =	ssyncset.done $0x0  }
0x21: {  	[sflag:s15] =	ssyncadd.s32 $0xFFFFF800  }
0x22: {  	[spmem:s11] =	stream.linear.scatter [tilespmem:s14], [sflag:$0x3], $0x800, $0x38;
	[tilespmem:$0x14000] =	vst v63  }
0x23: {  	_ =	swait.ge [sflag:s15], $0x800  }
0x24: {  	[sflag:s15] =	ssyncset.done $0x0  }
0x25: {  	[sflag:s15] =	ssyncadd.s32 $0xFFFFF800  }
0x26: {  	[spmem:s12] =	stream.linear.scatter [tilespmem:s14], [sflag:$0x3], $0x800, $0x38;
	[tilespmem:$0x14000] =	vst v63  }
0x27: {  	_ =	swait.ge [sflag:s15], $0x800  }
0x28: {  	[sflag:s15] =	ssyncset.done $0x0  }
0x29: {  	[sflag:s15] =	ssyncadd.s32 $0xFFFFF800  }
0x2a: {  	[spmem:s13] =	stream.linear.scatter [tilespmem:s14], [sflag:$0x3], $0x800, $0x38;
	[tilespmem:$0x14000] =	vst v63  }
0x2b: {  	_ =	swait.ge [sflag:s15], $0x800  }
0x2c: {  	[sflag:s15] =	ssyncset.done $0x0  }
0x2d: {  	[sflag:s15] =	ssyncadd.s32 $0xFFFFF800  }
0x2e: {  	[tilespmem:s3], [sflag:$0x3] =	stream.linear.gather [hbm4b:s6+s3], $0x2800, $0x38;
	[tilespmem:$0x14000] =	vst v63  }
0x2f: {  	_ =	swait.ge [sflag:s15], $0x2800  }
0x30: {  	[sflag:s15] =	ssyncset.done $0x0  }
0x31: {  	[sflag:s15] =	ssyncadd.s32 $0xFFFFD800  }
0x32: {  	[tilespmem:s16], [sflag:$0x3] =	stream.linear.gather [hbm4b:s7+s3], $0x2800, $0x38;
	[tilespmem:$0x14000] =	vst v63  }
0x33: {  	_ =	swait.ge [sflag:s15], $0x2800  }
0x34: {  	[sflag:s15] =	ssyncset.done $0x0  }
0x35: {  	[sflag:s15] =	ssyncadd.s32 $0xFFFFD800  }
0x36: {  	[bflag:$0x0] =	sbarrier.arrive $0xFFFF  }
0x37: {  	[tilespmem:s18], [sflag:$0x1] =	stream.indirect.gather [hbm4b:s4+s17], $0x10, s3, s17, $0xb8;
	[tilespmem:$0x14000] =	vst v63  }
0x38: {  	_ = 	snop  }
0x39: {  	[tilespmem:s19], [sflag:$0x1] =	stream.indirect.gather [hbm4b:s4+s17], $0x10, s17, s17, $0xb8;
	[tilespmem:$0x14000] =	vst v63  }
0x3a: {  	_ =	swait.ge [sflag:s20], $0x4000  }
0x3b: {  	[sflag:s20] =	ssyncset.done $0x0  }
0x3c: {  	[sflag:s20] =	ssyncadd.s32 $0xFFFFC000  }
0x3d: {  	[spmem:s2] =	stream.indirect.scatter.add.f32 [tilespmem:s18], [sflag:$0x2], $0x10, s16, s17, $0xb8;
	[tilespmem:$0x14000] =	vst v63  }
0x3e: {  	s21 =	simm.s32 $0x800  }
0x3f: {  	[tilespmem:s22], [sflag:$0x1] =	stream.indirect.gather [hbm4b:s4+s17], $0x10, s21, s17, $0xb8;
	[tilespmem:$0x14000] =	vst v63  }
0x40: {  	_ =	swait.ge [sflag:s20], $0x4000  }
0x41: {  	[sflag:s20] =	ssyncset.done $0x0  }
0x42: {  	s23 =	simm.s32 $0x2C00;
	[sflag:s20] =	ssyncadd.s32 $0xFFFFC000  }
0x43: {  	[spmem:s2] =	stream.indirect.scatter.add.f32 [tilespmem:s19], [sflag:$0x2], $0x10, s23, s17, $0xb8;
	[tilespmem:$0x14000] =	vst v63  }
0x44: {  	_ =	swait.ge [sflag:s24], $0x4000  }
0x45: {  	[sflag:s24] =	ssyncset.done $0x0  }
0x46: {  	s23 =	simm.s32 $0xC00;
	[sflag:s24] =	ssyncadd.s32 $0xFFFFC000  }
0x47: {  	[tilespmem:s18], [sflag:$0x1] =	stream.indirect.gather [hbm4b:s4+s17], $0x10, s23, s17, $0xb8;
	[tilespmem:$0x14000] =	vst v63  }
0x48: {  	_ =	swait.ge [sflag:s20], $0x4000  }
0x49: {  	[sflag:s20] =	ssyncset.done $0x0  }
0x4a: {  	s23 =	simm.s32 $0x3000;
	[sflag:s20] =	ssyncadd.s32 $0xFFFFC000  }
0x4b: {  	[spmem:s2] =	stream.indirect.scatter.add.f32 [tilespmem:s22], [sflag:$0x2], $0x10, s23, s17, $0xb8;
	[tilespmem:$0x14000] =	vst v63  }
0x4c: {  	_ =	swait.ge [sflag:s24], $0x4000  }
0x4d: {  	[sflag:s24] =	ssyncset.done $0x0  }
0x4e: {  	s23 =	simm.s32 $0x1000;
	[sflag:s24] =	ssyncadd.s32 $0xFFFFC000  }
0x4f: {  	[tilespmem:s19], [sflag:$0x1] =	stream.indirect.gather [hbm4b:s4+s17], $0x10, s23, s17, $0xb8;
	[tilespmem:$0x14000] =	vst v63  }
0x50: {  	_ =	swait.ge [sflag:s20], $0x4000  }
0x51: {  	[sflag:s20] =	ssyncset.done $0x0  }
0x52: {  	s23 =	simm.s32 $0x3400;
	[sflag:s20] =	ssyncadd.s32 $0xFFFFC000  }
0x53: {  	[spmem:s2] =	stream.indirect.scatter.add.f32 [tilespmem:s18], [sflag:$0x2], $0x10, s23, s17, $0xb8;
	[tilespmem:$0x14000] =	vst v63  }
0x54: {  	_ =	swait.ge [sflag:s24], $0x4000  }
0x55: {  	[sflag:s24] =	ssyncset.done $0x0  }
0x56: {  	s23 =	simm.s32 $0x1400;
	[sflag:s24] =	ssyncadd.s32 $0xFFFFC000  }
0x57: {  	[tilespmem:s22], [sflag:$0x1] =	stream.indirect.gather [hbm4b:s4+s17], $0x10, s23, s17, $0xb8;
	[tilespmem:$0x14000] =	vst v63  }
0x58: {  	_ =	swait.ge [sflag:s20], $0x4000  }
0x59: {  	[sflag:s20] =	ssyncset.done $0x0  }
0x5a: {  	s23 =	simm.s32 $0x3800;
	[sflag:s20] =	ssyncadd.s32 $0xFFFFC000  }
0x5b: {  	[spmem:s2] =	stream.indirect.scatter.add.f32 [tilespmem:s19], [sflag:$0x2], $0x10, s23, s17, $0xb8;
	[tilespmem:$0x14000] =	vst v63  }
0x5c: {  	_ =	swait.ge [sflag:s24], $0x4000  }
0x5d: {  	[sflag:s24] =	ssyncset.done $0x0  }
0x5e: {  	s23 =	simm.s32 $0x1800;
	[sflag:s24] =	ssyncadd.s32 $0xFFFFC000  }
0x5f: {  	[tilespmem:s18], [sflag:$0x1] =	stream.indirect.gather [hbm4b:s4+s17], $0x10, s23, s17, $0xb8;
	[tilespmem:$0x14000] =	vst v63  }
0x60: {  	_ =	swait.ge [sflag:s20], $0x4000  }
0x61: {  	[sflag:s20] =	ssyncset.done $0x0  }
0x62: {  	s23 =	simm.s32 $0x3C00;
	[sflag:s20] =	ssyncadd.s32 $0xFFFFC000  }
0x63: {  	[spmem:s2] =	stream.indirect.scatter.add.f32 [tilespmem:s22], [sflag:$0x2], $0x10, s23, s17, $0xb8;
	[tilespmem:$0x14000] =	vst v63  }
0x64: {  	_ =	swait.ge [sflag:s24], $0x4000  }
0x65: {  	[sflag:s24] =	ssyncset.done $0x0  }
0x66: {  	s23 =	simm.s32 $0x1C00;
	[sflag:s24] =	ssyncadd.s32 $0xFFFFC000  }
0x67: {  	[tilespmem:s19], [sflag:$0x1] =	stream.indirect.gather [hbm4b:s4+s17], $0x10, s23, s17, $0xb8;
	[tilespmem:$0x14000] =	vst v63  }
0x68: {  	_ =	swait.ge [sflag:s20], $0x4000  }
0x69: {  	[sflag:s20] =	ssyncset.done $0x0  }
0x6a: {  	[sflag:s20] =	ssyncadd.s32 $0xFFFFC000  }
0x6b: {  	[spmem:s2] =	stream.indirect.scatter.add.f32 [tilespmem:s18], [sflag:$0x2], $0x10, s26, s17, $0xb8;
	[tilespmem:$0x14000] =	vst v63  }
0x6c: {  	_ =	swait.ge [sflag:s24], $0x4000  }
0x6d: {  	[sflag:s24] =	ssyncset.done $0x0  }
0x6e: {  	[sflag:s24] =	ssyncadd.s32 $0xFFFFC000  }
0x6f: {  	[tilespmem:s22], [sflag:$0x1] =	stream.indirect.gather [hbm4b:s4+s17], $0x10, s28, s17, $0xb8;
	[tilespmem:$0x14000] =	vst v63  }
0x70: {  	_ =	swait.ge [sflag:s20], $0x4000  }
0x71: {  	[sflag:s20] =	ssyncset.done $0x0  }
0x72: {  	[sflag:s20] =	ssyncadd.s32 $0xFFFFC000  }
0x73: {  	[spmem:s2] =	stream.indirect.scatter.add.f32 [tilespmem:s19], [sflag:$0x2], $0x10, s29, s17, $0xb8;
	[tilespmem:$0x14000] =	vst v63  }
0x74: {  	_ =	swait.ge [sflag:s24], $0x4000  }
0x75: {  	[sflag:s24] =	ssyncset.done $0x0  }
0x76: {  	[sflag:s24] =	ssyncadd.s32 $0xFFFFC000  }
0x77: {  	[tilespmem:s18], [sflag:$0x1] =	stream.indirect.gather [hbm4b:s4+s17], $0x10, s30, s17, $0xb8;
	[tilespmem:$0x14000] =	vst v63  }
0x78: {  	_ =	swait.ge [sflag:s20], $0x4000  }
0x79: {  	[sflag:s20] =	ssyncset.done $0x0  }
0x7a: {  	[sflag:s20] =	ssyncadd.s32 $0xFFFFC000  }
0x7b: {  	[spmem:s2] =	stream.indirect.scatter.add.f32 [tilespmem:s22], [sflag:$0x2], $0x10, s31, s17, $0xb8;
	[tilespmem:$0x14000] =	vst v63  }
0x7c: {  	_ =	swait.ge [sflag:s24], $0x4000  }
0x7d: {  	[sflag:s24] =	ssyncset.done $0x0  }
0x7e: {  	[sflag:s24] =	ssyncadd.s32 $0xFFFFC000  }
0x7f: {  	_ =	swait.ge [sflag:s20], $0x4000  }
0x80: {  	[sflag:s20] =	ssyncset.done $0x0  }
0x81: {  	[sflag:s20] =	ssyncadd.s32 $0xFFFFC000  }
0x82: {  	[spmem:s2] =	stream.indirect.scatter.add.f32 [tilespmem:s18], [sflag:$0x2], $0x10, s0, s17, $0xb8;
	[tilespmem:$0x14000] =	vst v63  }
0x83: {  	_ =	swait.ge [sflag:s24], $0x4000  }
0x84: {  	[sflag:s24] =	ssyncset.done $0x0  }
0x85: {  	[sflag:s24] =	ssyncadd.s32 $0xFFFFC000  }
0x86: {  	_ =	swait.ge [sflag:s24], $0x4000  }
0x87: {  	s1 =	sadd.s32 $0x1, s1;
	s23 =	stileid.u32;
	[sflag:s24] =	ssyncset.done $0x0  }
0x88: {  	p0 =	sne.s32 s1, s9;
	s21 =	sshll.u32 s23, $0x6;
	[sflag:s24] =	ssyncadd.s32 $0xFFFFC000  }
.Ltmp1:
0x89: {  	s21 =	sor.u32 $0x1C03, s21;
	[bflag:$0x0] =	sbarrier.arrive $0xFFFF;
	(pc) =	sbr.rel @p0 .LBB2_1-.Ltmp1, $4  }
0x8a: {  	[hbm:s8], [sflag:s21] =	dma.local [spmem:s25], $0x500  }
0x8b: {  	_ =	swait.ge [sflag:s15], $0x500  }
0x8c: {  	[sflag:s15] =	ssyncset.done $0x0  }
0x8d: {  	[sflag:s15] =	ssyncadd.s32 $0xFFFFFB00  }
0x8e: {  	_ =	sfence.sel $0x180000  }
0x8f: {  	[bflag:$0x0] =	sbarrier.arrive $0xFFFF  }
0x90: {  	_ =	strace $0x90000047  }
0x91: {  	s0 =	stileid.u32;
	[bflag:$0x2] =	sbarrier.arrive $0xFFFF  }
0x92: {  	p0 =	sne.s32 s0, $0x0;
	s0 =	rddreg [dreg:$0x3]  }
0x93: {  	s0 =	sadd.s32 @!p0 $0x100000, s0  }
0x94: {  	[sflag:s0] =	ssyncadd.tile.s32 @!p0 $0x1;
	_ =	shalt  }
.Lfunc_end2:
_tile_overlayer_lowered:
.L_overlay_start_2:
0x95: {  	(tag) =	ssettag $0x2  }
0x96: {  	s0 =	rddreg [dreg:$0x0];
	s2 =	stileid.u32  }
0x97: {  	s1 =	rddreg [dreg:$0x1];
	p0 =	sne.s32 s2, $0x0  }
0x98: {  	s3 =	rddreg [dreg:$0x2];
	[bflag:$0x3] =	sbarrier.arrive $0xFFFF;
	s2 =	simm.s32 @!p0 $0x1C03  }
0x99: {  	[timem:s3], [sflag:s2] =	dma.local @!p0 [hbm:s0], s1  }
0x9a: {  	s0 =	simm.s32 @!p0 $0x3  }
0x9b: {  	_ =	swait.ge @!p0 [sflag:s0], s1  }
0x9c: {  	s1 =	ssub.s32 @!p0 $0x0, s1;
	[sflag:s0] =	ssyncset.done @!p0 $0x0  }
0x9d: {  	[sflag:s0] =	ssyncadd.s32 @!p0 s1  }
0x9e: {  	[bflag:$0x3] =	sbarrier.arrive $0xFFFF  }
0x9f: {  	_ =	shalt  }

</sc_bundles>
